<compile_context>
chip_gen: v7x
topology: tpu7x:2x2x1
jax: 0.10.2.dev20260603
libtpu: 0.0.44.dev20260713+nightly
codegen_flags: <defaults>
</compile_context>

<pallas_src>
import jax
import jax.numpy as jnp
from jax import lax
from jax.experimental import pallas as pl
from jax.experimental.pallas import tpu as pltpu
from jax.experimental.pallas import tpu_sc as plsc

_B, _S, _D = 4, 8192, 1024
_SCALE = float(_D) ** 0.5
_N = _B * _S
_NC, _NS = 2, 16
_NW = _NC * _NS
_RPW = _N // _NW
_K = 16
_NSLOT = 2
_NCHUNK = _RPW // _K
_LANES = 16
_VPR = _D // _LANES


def _body(lat_hbm, ids_hbm, tab_hbm, out_hbm,
          ids_v, lat_v, tab_v, out_v, lat_sems, tab_sems, out_sems):
    wid = lax.axis_index("s") * _NC + lax.axis_index("c")
    base = wid * _RPW
    pltpu.sync_copy(ids_hbm.at[pl.ds(base, _RPW)], ids_v)

    def start_in(c, b):
        r0 = base + c * _K
        pltpu.async_copy(lat_hbm.at[pl.ds(r0, _K)], lat_v.at[b], lat_sems[b])
        pltpu.async_copy(tab_hbm.at[ids_v.at[pl.ds(c * _K, _K)]],
                         tab_v.at[b], tab_sems[b])

    def wait_in(c, b):
        r0 = base + c * _K
        pltpu.make_async_copy(
            lat_hbm.at[pl.ds(r0, _K)], lat_v.at[b], lat_sems[b]).wait()
        pltpu.make_async_copy(
            tab_hbm.at[ids_v.at[pl.ds(c * _K, _K)]],
            tab_v.at[b], tab_sems[b]).wait()

    def start_out_half(c, b, h):
        r0 = base + c * _K + h * (_K // 2)
        pltpu.async_copy(out_v.at[b, pl.ds(h * (_K // 2), _K // 2)],
                         out_hbm.at[pl.ds(r0, _K // 2)], out_sems[b])

    def wait_out(c, b):
        r0 = base + c * _K
        pltpu.make_async_copy(
            out_v.at[b], out_hbm.at[pl.ds(r0, _K)], out_sems[b]).wait()

    def compute_half(b, h):
        lat_b, tab_b, out_b = lat_v.at[b], tab_v.at[b], out_v.at[b]
        lo = h * (_K // 2) * _VPR

        @plsc.parallel_loop(lo, lo + (_K // 2) * _VPR, unroll=16)
        def _(i):
            k = i >> 6
            sl = pl.ds((i & (_VPR - 1)) * _LANES, _LANES)
            out_b[k, sl] = lat_b[k, sl] * _SCALE + tab_b[k, sl]

    start_in(0, 0)
    start_in(1, 1)

    def step(gi, carry):
        g = gi * 2
        for b in range(2):
            c = g + b
            wait_in(c, b)

            @pl.when(c >= _NSLOT)
            def _():
                wait_out(c - _NSLOT, b)

            compute_half(b, 0)
            start_out_half(c, b, 0)
            compute_half(b, 1)
            start_out_half(c, b, 1)

            @pl.when(c + _NSLOT < _NCHUNK)
            def _():
                start_in(c + _NSLOT, b)
        return carry

    lax.fori_loop(0, _NCHUNK // 2, step, 0)
    wait_out(_NCHUNK - 2, 0)
    wait_out(_NCHUNK - 1, 1)


_embed = pl.kernel(
    _body,
    out_type=jax.ShapeDtypeStruct((_N, _D), jnp.float32),
    mesh=plsc.VectorSubcoreMesh(core_axis_name="c", subcore_axis_name="s"),
    scratch_types=[
        pltpu.VMEM((_RPW,), jnp.int32),
        pltpu.VMEM((_NSLOT, _K, _D), jnp.float32),
        pltpu.VMEM((_NSLOT, _K, _D), jnp.float32),
        pltpu.VMEM((_NSLOT, _K, _D), jnp.float32),
        [pltpu.SemaphoreType.DMA] * _NSLOT,
        [pltpu.SemaphoreType.DMA] * _NSLOT,
        [pltpu.SemaphoreType.DMA] * _NSLOT,
    ],
)


@jax.jit
def kernel(latent_vectors, position_ids, position_table):
    lat = latent_vectors.reshape(_N, _D)
    ids = position_ids.reshape(_N)
    out = _embed(lat, ids, position_table)
    return out.reshape(_B, _S, _D)

# --- scband reference (transcript-rebuilt; emitter-appended) ---
"""Pipeline reference for scband-continuous-embedding-53068615909677 (READ-ONLY COPY).

The authoritative reference and input builder live on the scoring server;
editing this copy changes nothing except your own understanding.
"""

import jax, jax.numpy as jnp
import numpy as np

B = 4
S = 8192
D_MODEL = 1024
MAX_SEQ_LEN = 131072
SCALE = D_MODEL ** 0.5


def setup_inputs(seed: int = 0) -> dict:
    key = jax.random.key(seed)
    k1, k2, k3 = jax.random.split(key, 3)
    latent_vectors = jax.random.normal(k1, (B, S, D_MODEL), dtype=jnp.float32)
    position_ids = jax.random.randint(k2, (B, S), 0, MAX_SEQ_LEN, dtype=jnp.int32)
    # learned position-embedding table (nn.Embedding(max_seq_len, d_model))
    position_table = jax.random.normal(k3, (MAX_SEQ_LEN, D_MODEL), dtype=jnp.float32) * 0.02
    return {
        "latent_vectors": latent_vectors,
        "position_ids": position_ids,
        "position_table": position_table,
    }


def reference(latent_vectors, position_ids, position_table):
    # pos_embed = self.position_embedding(position_ids)  (embedding gather)
    pos_embed = jnp.take(position_table, position_ids, axis=0)
    # output = latent_vectors * self.scale + pos_embed; dropout(p=0.0) is identity
    output = latent_vectors * SCALE + pos_embed
    return output

if __name__ == "__main__":
    import jax
    _d = setup_inputs()
    print(jax.jit(kernel)(*tuple(_d.values())))

</pallas_src>

<mosaic_0001>
#map = affine_map<(d0, d1) -> (0, 0)>
#map1 = affine_map<(d0, d1) -> (0)>
module attributes {stable_mosaic.version = 14 : i64} {
  func.func @_body(%arg0: i32, %arg1: i32, %arg2: memref<32768x1024xf32, #tpu.memory_space<hbm>>, %arg3: memref<32768xi32, #tpu.memory_space<hbm>>, %arg4: memref<131072x1024xf32, #tpu.memory_space<hbm>>, %arg5: memref<32768x1024xf32, #tpu.memory_space<hbm>>, %arg6: memref<1024xi32, #tpu.memory_space<vmem>>, %arg7: memref<2x16x1024xf32, #tpu.memory_space<vmem>>, %arg8: memref<2x16x1024xf32, #tpu.memory_space<vmem>>, %arg9: memref<2x16x1024xf32, #tpu.memory_space<vmem>>, %arg10: memref<!tpu.dma_semaphore, #tpu.memory_space<semaphore_mem>>, %arg11: memref<!tpu.dma_semaphore, #tpu.memory_space<semaphore_mem>>, %arg12: memref<!tpu.dma_semaphore, #tpu.memory_space<semaphore_mem>>, %arg13: memref<!tpu.dma_semaphore, #tpu.memory_space<semaphore_mem>>, %arg14: memref<!tpu.dma_semaphore, #tpu.memory_space<semaphore_mem>>, %arg15: memref<!tpu.dma_semaphore, #tpu.memory_space<semaphore_mem>>) attributes {dimension_semantics = [#tpu.dimension_semantics<core_parallel>, #tpu.dimension_semantics<subcore_parallel>], iteration_bounds = array<i64: 2, 16>, scalar_prefetch = 0 : i64, scratch_operands = 10 : i64, tpu.core_type = #tpu.core_type<sc_vector_subcore>, window_params = [{transform_indices = #map}, {transform_indices = #map1}, {transform_indices = #map}, {transform_indices = #map}]} {
    %mul3A = arith.constant 2 : i32
    %mul3A_0 = arith.muli %arg1, %mul3A : i32
    %add3A = arith.addi %mul3A_0, %arg0 : i32
    %mul3A_1 = arith.constant 1024 : i32
    %mul3A_2 = arith.muli %add3A, %mul3A_1 : i32
    "tpu.region"() ({
      %run_scoped3A = tpu.sem_alloc : memref<!tpu.dma_semaphore, #tpu.memory_space<semaphore_mem>>
      %dma_start3A_86 = tpu.memref_slice %arg3[%mul3A_2] : memref<32768xi32, #tpu.memory_space<hbm>> -> memref<1024xi32, #tpu.memory_space<hbm>>
      %dma_start3A_87 = tpu.memref_slice %arg3[%mul3A_2] : memref<32768xi32, #tpu.memory_space<hbm>> -> memref<1024xi32, #tpu.memory_space<hbm>>
      tpu.enqueue_dma source(%dma_start3A_87 : memref<1024xi32, #tpu.memory_space<hbm>>) target(%arg6 : memref<1024xi32, #tpu.memory_space<vmem>>) target_semaphore(%run_scoped3A : memref<!tpu.dma_semaphore, #tpu.memory_space<semaphore_mem>>)
      %dma_wait3A_88 = tpu.memref_slice %arg3[%mul3A_2] : memref<32768xi32, #tpu.memory_space<hbm>> -> memref<1024xi32, #tpu.memory_space<hbm>>
      %dma_wait3A_89 = tpu.memref_slice %arg3[%mul3A_2] : memref<32768xi32, #tpu.memory_space<hbm>> -> memref<1024xi32, #tpu.memory_space<hbm>>
      tpu.wait_dma2 semaphore(%run_scoped3A : memref<!tpu.dma_semaphore, #tpu.memory_space<semaphore_mem>>) src(%dma_wait3A_89 : memref<1024xi32, #tpu.memory_space<hbm>>) dst(%arg6 : memref<1024xi32, #tpu.memory_space<vmem>>)
      tpu.yield
    }) : () -> ()
    %add3A_3 = arith.constant 0 : i32
    %add3A_4 = arith.addi %mul3A_2, %add3A_3 : i32
    %dma_start3A = arith.constant 0 : i32
    %dma_start3A_5 = arith.constant 0 : i32
    %dma_start3A_6 = arith.constant 0 : i32
    %dma_start3A_7 = tpu.memref_slice %arg7[%dma_start3A, %dma_start3A_5, %dma_start3A_6] : memref<2x16x1024xf32, #tpu.memory_space<vmem>> -> memref<1x16x1024xf32, #tpu.memory_space<vmem>>
    %dma_start3A_8 = tpu.memref_squeeze %dma_start3A_7 : memref<1x16x1024xf32, #tpu.memory_space<vmem>> -> memref<16x1024xf32, #tpu.memory_space<vmem>>
    %dma_start3A_9 = arith.constant 0 : i32
    %dma_start3A_10 = tpu.memref_slice %arg2[%add3A_4, %dma_start3A_9] : memref<32768x1024xf32, #tpu.memory_space<hbm>> -> memref<16x1024xf32, #tpu.memory_space<hbm>>
    %dma_start3A_11 = arith.constant 0 : i32
    %dma_start3A_12 = arith.constant 0 : i32
    %dma_start3A_13 = tpu.memref_slice %arg7[%dma_start3A, %dma_start3A_11, %dma_start3A_12] : memref<2x16x1024xf32, #tpu.memory_space<vmem>> -> memref<1x16x1024xf32, #tpu.memory_space<vmem>>
    %dma_start3A_14 = tpu.memref_squeeze %dma_start3A_13 : memref<1x16x1024xf32, #tpu.memory_space<vmem>> -> memref<16x1024xf32, #tpu.memory_space<vmem>>
    %dma_start3A_15 = arith.constant 0 : i32
    %dma_start3A_16 = tpu.memref_slice %arg2[%add3A_4, %dma_start3A_15] : memref<32768x1024xf32, #tpu.memory_space<hbm>> -> memref<16x1024xf32, #tpu.memory_space<hbm>>
    tpu.enqueue_dma source(%dma_start3A_16 : memref<16x1024xf32, #tpu.memory_space<hbm>>) target(%dma_start3A_14 : memref<16x1024xf32, #tpu.memory_space<vmem>>) target_semaphore(%arg10 : memref<!tpu.dma_semaphore, #tpu.memory_space<semaphore_mem>>)
    %dma_start3A_17 = arith.constant 0 : i32
    %dma_start3A_18 = arith.constant 0 : i32
    %dma_start3A_19 = arith.constant 0 : i32
    %dma_start3A_20 = tpu.memref_slice %arg8[%dma_start3A_17, %dma_start3A_18, %dma_start3A_19] : memref<2x16x1024xf32, #tpu.memory_space<vmem>> -> memref<1x16x1024xf32, #tpu.memory_space<vmem>>
    %dma_start3A_21 = tpu.memref_squeeze %dma_start3A_20 : memref<1x16x1024xf32, #tpu.memory_space<vmem>> -> memref<16x1024xf32, #tpu.memory_space<vmem>>
    %dma_start3A_22 = arith.constant 0 : i32
    %dma_start3A_23 = tpu.memref_slice %arg6[%dma_start3A_22] : memref<1024xi32, #tpu.memory_space<vmem>> -> memref<16xi32, #tpu.memory_space<vmem>>
    %dma_start3A_24 = arith.constant 0 : i32
    %dma_start3A_25 = arith.constant 0 : i32
    %dma_start3A_26 = tpu.memref_slice %arg4[%dma_start3A_24, %dma_start3A_25] : memref<131072x1024xf32, #tpu.memory_space<hbm>> -> memref<131072x1024xf32, #tpu.memory_space<hbm>>
    tpu.enqueue_indirect_dma source(%dma_start3A_26 : memref<131072x1024xf32, #tpu.memory_space<hbm>>) target(%dma_start3A_21 : memref<16x1024xf32, #tpu.memory_space<vmem>>) offsets(%dma_start3A_23 : memref<16xi32, #tpu.memory_space<vmem>>) semaphore(%arg12 : memref<!tpu.dma_semaphore, #tpu.memory_space<semaphore_mem>>)
    %add3A_27 = arith.constant 16 : i32
    %add3A_28 = arith.addi %mul3A_2, %add3A_27 : i32
    %dma_start3A_29 = arith.constant 1 : i32
    %dma_start3A_30 = arith.constant 0 : i32
    %dma_start3A_31 = arith.constant 0 : i32
    %dma_start3A_32 = tpu.memref_slice %arg7[%dma_start3A_29, %dma_start3A_30, %dma_start3A_31] : memref<2x16x1024xf32, #tpu.memory_space<vmem>> -> memref<1x16x1024xf32, #tpu.memory_space<vmem>>
    %dma_start3A_33 = tpu.memref_squeeze %dma_start3A_32 : memref<1x16x1024xf32, #tpu.memory_space<vmem>> -> memref<16x1024xf32, #tpu.memory_space<vmem>>
    %dma_start3A_34 = arith.constant 0 : i32
    %dma_start3A_35 = tpu.memref_slice %arg2[%add3A_28, %dma_start3A_34] : memref<32768x1024xf32, #tpu.memory_space<hbm>> -> memref<16x1024xf32, #tpu.memory_space<hbm>>
    %dma_start3A_36 = arith.constant 0 : i32
    %dma_start3A_37 = arith.constant 0 : i32
    %dma_start3A_38 = tpu.memref_slice %arg7[%dma_start3A_29, %dma_start3A_36, %dma_start3A_37] : memref<2x16x1024xf32, #tpu.memory_space<vmem>> -> memref<1x16x1024xf32, #tpu.memory_space<vmem>>
    %dma_start3A_39 = tpu.memref_squeeze %dma_start3A_38 : memref<1x16x1024xf32, #tpu.memory_space<vmem>> -> memref<16x1024xf32, #tpu.memory_space<vmem>>
    %dma_start3A_40 = arith.constant 0 : i32
    %dma_start3A_41 = tpu.memref_slice %arg2[%add3A_28, %dma_start3A_40] : memref<32768x1024xf32, #tpu.memory_space<hbm>> -> memref<16x1024xf32, #tpu.memory_space<hbm>>
    tpu.enqueue_dma source(%dma_start3A_41 : memref<16x1024xf32, #tpu.memory_space<hbm>>) target(%dma_start3A_39 : memref<16x1024xf32, #tpu.memory_space<vmem>>) target_semaphore(%arg11 : memref<!tpu.dma_semaphore, #tpu.memory_space<semaphore_mem>>)
    %dma_start3A_42 = arith.constant 1 : i32
    %dma_start3A_43 = arith.constant 0 : i32
    %dma_start3A_44 = arith.constant 0 : i32
    %dma_start3A_45 = tpu.memref_slice %arg8[%dma_start3A_42, %dma_start3A_43, %dma_start3A_44] : memref<2x16x1024xf32, #tpu.memory_space<vmem>> -> memref<1x16x1024xf32, #tpu.memory_space<vmem>>
    %dma_start3A_46 = tpu.memref_squeeze %dma_start3A_45 : memref<1x16x1024xf32, #tpu.memory_space<vmem>> -> memref<16x1024xf32, #tpu.memory_space<vmem>>
    %dma_start3A_47 = arith.constant 16 : i32
    %dma_start3A_48 = tpu.memref_slice %arg6[%dma_start3A_47] : memref<1024xi32, #tpu.memory_space<vmem>> -> memref<16xi32, #tpu.memory_space<vmem>>
    %dma_start3A_49 = arith.constant 0 : i32
    %dma_start3A_50 = arith.constant 0 : i32
    %dma_start3A_51 = tpu.memref_slice %arg4[%dma_start3A_49, %dma_start3A_50] : memref<131072x1024xf32, #tpu.memory_space<hbm>> -> memref<131072x1024xf32, #tpu.memory_space<hbm>>
    tpu.enqueue_indirect_dma source(%dma_start3A_51 : memref<131072x1024xf32, #tpu.memory_space<hbm>>) target(%dma_start3A_46 : memref<16x1024xf32, #tpu.memory_space<vmem>>) offsets(%dma_start3A_48 : memref<16xi32, #tpu.memory_space<vmem>>) semaphore(%arg13 : memref<!tpu.dma_semaphore, #tpu.memory_space<semaphore_mem>>)
    %scan3A = arith.constant 0 : i32
    %scan3A_52 = arith.constant 0 : i32
    %scan3A_53 = arith.constant 32 : i32
    %scan3A_54 = arith.addi %scan3A_52, %scan3A_53 : i32
    %scan3A_55 = arith.constant 1 : i32
    scf.for %scan3A_86 = %scan3A_52 to %scan3A_54 step %scan3A_55  : i32 {
      %mul3A_87 = arith.constant 2 : i32
      %mul3A_88 = arith.muli %scan3A_86, %mul3A_87 : i32
      %add3A_89 = arith.constant 0 : i32
      %add3A_90 = arith.addi %mul3A_88, %add3A_89 : i32
      %mul3A_91 = arith.constant 16 : i32
      %mul3A_92 = arith.muli %add3A_90, %mul3A_91 : i32
      %add3A_93 = arith.addi %mul3A_2, %mul3A_92 : i32
      %dma_wait3A_94 = arith.constant 0 : i32
      %dma_wait3A_95 = arith.constant 0 : i32
      %dma_wait3A_96 = arith.constant 0 : i32
      %dma_wait3A_97 = tpu.memref_slice %arg7[%dma_wait3A_94, %dma_wait3A_95, %dma_wait3A_96] : memref<2x16x1024xf32, #tpu.memory_space<vmem>> -> memref<1x16x1024xf32, #tpu.memory_space<vmem>>
      %dma_wait3A_98 = tpu.memref_squeeze %dma_wait3A_97 : memref<1x16x1024xf32, #tpu.memory_space<vmem>> -> memref<16x1024xf32, #tpu.memory_space<vmem>>
      %dma_wait3A_99 = arith.constant 0 : i32
      %dma_wait3A_100 = tpu.memref_slice %arg2[%add3A_93, %dma_wait3A_99] : memref<32768x1024xf32, #tpu.memory_space<hbm>> -> memref<16x1024xf32, #tpu.memory_space<hbm>>
      %dma_wait3A_101 = arith.constant 0 : i32
      %dma_wait3A_102 = arith.constant 0 : i32
      %dma_wait3A_103 = tpu.memref_slice %arg7[%dma_wait3A_94, %dma_wait3A_101, %dma_wait3A_102] : memref<2x16x1024xf32, #tpu.memory_space<vmem>> -> memref<1x16x1024xf32, #tpu.memory_space<vmem>>
      %dma_wait3A_104 = tpu.memref_squeeze %dma_wait3A_103 : memref<1x16x1024xf32, #tpu.memory_space<vmem>> -> memref<16x1024xf32, #tpu.memory_space<vmem>>
      %dma_wait3A_105 = arith.constant 0 : i32
      %dma_wait3A_106 = tpu.memref_slice %arg2[%add3A_93, %dma_wait3A_105] : memref<32768x1024xf32, #tpu.memory_space<hbm>> -> memref<16x1024xf32, #tpu.memory_space<hbm>>
      tpu.wait_dma2 semaphore(%arg10 : memref<!tpu.dma_semaphore, #tpu.memory_space<semaphore_mem>>) src(%dma_wait3A_106 : memref<16x1024xf32, #tpu.memory_space<hbm>>) dst(%dma_wait3A_104 : memref<16x1024xf32, #tpu.memory_space<vmem>>)
      %mul3A_107 = arith.constant 16 : i32
      %mul3A_108 = arith.muli %add3A_90, %mul3A_107 : i32
      %dma_wait3A_109 = arith.constant 0 : i32
      %dma_wait3A_110 = arith.constant 0 : i32
      %dma_wait3A_111 = arith.constant 0 : i32
      %dma_wait3A_112 = tpu.memref_slice %arg8[%dma_wait3A_109, %dma_wait3A_110, %dma_wait3A_111] : memref<2x16x1024xf32, #tpu.memory_space<vmem>> -> memref<1x16x1024xf32, #tpu.memory_space<vmem>>
      %dma_wait3A_113 = tpu.memref_squeeze %dma_wait3A_112 : memref<1x16x1024xf32, #tpu.memory_space<vmem>> -> memref<16x1024xf32, #tpu.memory_space<vmem>>
      %dma_wait3A_114 = tpu.memref_slice %arg6[%mul3A_108] : memref<1024xi32, #tpu.memory_space<vmem>> -> memref<16xi32, #tpu.memory_space<vmem>>
      %dma_wait3A_115 = arith.constant 0 : i32
      %dma_wait3A_116 = arith.constant 0 : i32
      %dma_wait3A_117 = tpu.memref_slice %arg4[%dma_wait3A_115, %dma_wait3A_116] : memref<131072x1024xf32, #tpu.memory_space<hbm>> -> memref<131072x1024xf32, #tpu.memory_space<hbm>>
      tpu.wait_indirect_dma semaphore(%arg12 : memref<!tpu.dma_semaphore, #tpu.memory_space<semaphore_mem>>) src(%dma_wait3A_117 : memref<131072x1024xf32, #tpu.memory_space<hbm>>) dst(%dma_wait3A_113 : memref<16x1024xf32, #tpu.memory_space<vmem>>)
      %ge3A = arith.constant 2 : i32
      %ge3A_118 = arith.cmpi sge, %add3A_90, %ge3A : i32
      %convert_element_type3A = arith.extui %ge3A_118 : i1 to i32
      %cond3A = arith.constant 0 : i32
      %cond3A_119 = arith.cmpi ne, %convert_element_type3A, %cond3A : i32
      scf.if %cond3A_119 {
        %sub3A = arith.constant 2 : i32
        %sub3A_262 = arith.subi %add3A_90, %sub3A : i32
        %mul3A_263 = arith.constant 16 : i32
        %mul3A_264 = arith.muli %sub3A_262, %mul3A_263 : i32
        %add3A_265 = arith.addi %mul3A_2, %mul3A_264 : i32
        %dma_wait3A_266 = arith.constant 0 : i32
        %dma_wait3A_267 = arith.constant 0 : i32
        %dma_wait3A_268 = arith.constant 0 : i32
        %dma_wait3A_269 = tpu.memref_slice %arg9[%dma_wait3A_266, %dma_wait3A_267, %dma_wait3A_268] : memref<2x16x1024xf32, #tpu.memory_space<vmem>> -> memref<1x16x1024xf32, #tpu.memory_space<vmem>>
        %dma_wait3A_270 = tpu.memref_squeeze %dma_wait3A_269 : memref<1x16x1024xf32, #tpu.memory_space<vmem>> -> memref<16x1024xf32, #tpu.memory_space<vmem>>
        %dma_wait3A_271 = arith.constant 0 : i32
        %dma_wait3A_272 = tpu.memref_slice %arg5[%add3A_265, %dma_wait3A_271] : memref<32768x1024xf32, #tpu.memory_space<hbm>> -> memref<16x1024xf32, #tpu.memory_space<hbm>>
        %dma_wait3A_273 = arith.constant 0 : i32
        %dma_wait3A_274 = tpu.memref_slice %arg5[%add3A_265, %dma_wait3A_273] : memref<32768x1024xf32, #tpu.memory_space<hbm>> -> memref<16x1024xf32, #tpu.memory_space<hbm>>
        %dma_wait3A_275 = arith.constant 0 : i32
        %dma_wait3A_276 = arith.constant 0 : i32
        %dma_wait3A_277 = tpu.memref_slice %arg9[%dma_wait3A_266, %dma_wait3A_275, %dma_wait3A_276] : memref<2x16x1024xf32, #tpu.memory_space<vmem>> -> memref<1x16x1024xf32, #tpu.memory_space<vmem>>
        %dma_wait3A_278 = tpu.memref_squeeze %dma_wait3A_277 : memref<1x16x1024xf32, #tpu.memory_space<vmem>> -> memref<16x1024xf32, #tpu.memory_space<vmem>>
        tpu.wait_dma2 semaphore(%arg14 : memref<!tpu.dma_semaphore, #tpu.memory_space<semaphore_mem>>) src(%dma_wait3A_278 : memref<16x1024xf32, #tpu.memory_space<vmem>>) dst(%dma_wait3A_274 : memref<16x1024xf32, #tpu.memory_space<hbm>>)
      } else {
      }
      %parallel_loop3A = arith.constant 0 : i32
      %parallel_loop3A_120 = arith.constant 512 : i32
      %parallel_loop3A_121 = arith.constant 1 : i32
      %parallel_loop3A_122 = arith.constant 0 : i32
      %parallel_loop3A_123 = arith.constant 0 : i32
      %parallel_loop3A_124 = arith.constant 0 : i32
      scf.for %parallel_loop3A_262 = %parallel_loop3A to %parallel_loop3A_120 step %parallel_loop3A_121  : i32 {
        %parallel_loop3A_263 = arith.constant 6 : i32
        %parallel_loop3A_264 = arith.shrsi %parallel_loop3A_262, %parallel_loop3A_263 : i32
        %parallel_loop3A_265 = arith.constant 63 : i32
        %parallel_loop3A_266 = arith.andi %parallel_loop3A_262, %parallel_loop3A_265 : i32
        %parallel_loop3A_267 = arith.constant 16 : i32
        %parallel_loop3A_268 = arith.muli %parallel_loop3A_266, %parallel_loop3A_267 : i32
        %parallel_loop3A_269 = arith.constant 0 : i32
        %parallel_loop3A_270 = arith.constant 0 : i32
        %parallel_loop3A_271 = tpu.memref_slice %arg7[%parallel_loop3A_122, %parallel_loop3A_269, %parallel_loop3A_270] : memref<2x16x1024xf32, #tpu.memory_space<vmem>> -> memref<1x16x1024xf32, #tpu.memory_space<vmem>>
        %parallel_loop3A_272 = tpu.memref_squeeze %parallel_loop3A_271 : memref<1x16x1024xf32, #tpu.memory_space<vmem>> -> memref<16x1024xf32, #tpu.memory_space<vmem>>
        %parallel_loop3A_273 = arith.index_cast %parallel_loop3A_264 : i32 to index
        %parallel_loop3A_274 = arith.index_cast %parallel_loop3A_268 : i32 to index
        %parallel_loop3A_275 = tpu.vector_load %parallel_loop3A_272[%parallel_loop3A_273, %parallel_loop3A_274] {strides = array<i32>} : memref<16x1024xf32, #tpu.memory_space<vmem>>, vector<1x16xf32>,
        %parallel_loop3A_276 = vector.shape_cast %parallel_loop3A_275 : vector<1x16xf32> to vector<16xf32>
        %parallel_loop3A_277 = arith.constant 3.200000e+01 : f32
        %parallel_loop3A_278 = vector.broadcast %parallel_loop3A_277 : f32 to vector<16xf32>
        %parallel_loop3A_279 = arith.mulf %parallel_loop3A_276, %parallel_loop3A_278 : vector<16xf32>
        %parallel_loop3A_280 = arith.constant 0 : i32
        %parallel_loop3A_281 = arith.constant 0 : i32
        %parallel_loop3A_282 = tpu.memref_slice %arg8[%parallel_loop3A_123, %parallel_loop3A_280, %parallel_loop3A_281] : memref<2x16x1024xf32, #tpu.memory_space<vmem>> -> memref<1x16x1024xf32, #tpu.memory_space<vmem>>
        %parallel_loop3A_283 = tpu.memref_squeeze %parallel_loop3A_282 : memref<1x16x1024xf32, #tpu.memory_space<vmem>> -> memref<16x1024xf32, #tpu.memory_space<vmem>>
        %parallel_loop3A_284 = arith.index_cast %parallel_loop3A_264 : i32 to index
        %parallel_loop3A_285 = arith.index_cast %parallel_loop3A_268 : i32 to index
        %parallel_loop3A_286 = tpu.vector_load %parallel_loop3A_283[%parallel_loop3A_284, %parallel_loop3A_285] {strides = array<i32>} : memref<16x1024xf32, #tpu.memory_space<vmem>>, vector<1x16xf32>,
        %parallel_loop3A_287 = vector.shape_cast %parallel_loop3A_286 : vector<1x16xf32> to vector<16xf32>
        %parallel_loop3A_288 = arith.addf %parallel_loop3A_279, %parallel_loop3A_287 : vector<16xf32>
        %parallel_loop3A_289 = arith.constant 0 : i32
        %parallel_loop3A_290 = arith.constant 0 : i32
        %parallel_loop3A_291 = tpu.memref_slice %arg9[%parallel_loop3A_124, %parallel_loop3A_289, %parallel_loop3A_290] : memref<2x16x1024xf32, #tpu.memory_space<vmem>> -> memref<1x16x1024xf32, #tpu.memory_space<vmem>>
        %parallel_loop3A_292 = tpu.memref_squeeze %parallel_loop3A_291 : memref<1x16x1024xf32, #tpu.memory_space<vmem>> -> memref<16x1024xf32, #tpu.memory_space<vmem>>
        %parallel_loop3A_293 = arith.index_cast %parallel_loop3A_264 : i32 to index
        %parallel_loop3A_294 = arith.index_cast %parallel_loop3A_268 : i32 to index
        %parallel_loop3A_295 = tpu.vector_load %parallel_loop3A_292[%parallel_loop3A_293, %parallel_loop3A_294] {strides = array<i32>} : memref<16x1024xf32, #tpu.memory_space<vmem>>, vector<1x16xf32>,
        %parallel_loop3A_296 = vector.shape_cast %parallel_loop3A_295 : vector<1x16xf32> to vector<16xf32>
        %parallel_loop3A_297 = vector.shape_cast %parallel_loop3A_288 : vector<16xf32> to vector<1x16xf32>
        tpu.vector_store %parallel_loop3A_292[%parallel_loop3A_293, %parallel_loop3A_294], %parallel_loop3A_297 {strides = array<i32>} : memref<16x1024xf32, #tpu.memory_space<vmem>>, vector<1x16xf32>,
      } {sc.loop_unroll_factor = 16 : i64, sc.parallel_access}
      %mul3A_125 = arith.constant 16 : i32
      %mul3A_126 = arith.muli %add3A_90, %mul3A_125 : i32
      %add3A_127 = arith.addi %mul3A_2, %mul3A_126 : i32
      %add3A_128 = arith.constant 0 : i32
      %add3A_129 = arith.addi %add3A_127, %add3A_128 : i32
      %dma_start3A_130 = arith.constant 0 : i32
      %dma_start3A_131 = arith.constant 0 : i32
      %dma_start3A_132 = arith.constant 0 : i32
      %dma_start3A_133 = tpu.memref_slice %arg9[%dma_start3A_130, %dma_start3A_131, %dma_start3A_132] : memref<2x16x1024xf32, #tpu.memory_space<vmem>> -> memref<1x8x1024xf32, #tpu.memory_space<vmem>>
      %dma_start3A_134 = tpu.memref_squeeze %dma_start3A_133 : memref<1x8x1024xf32, #tpu.memory_space<vmem>> -> memref<8x1024xf32, #tpu.memory_space<vmem>>
      %dma_start3A_135 = arith.constant 0 : i32
      %dma_start3A_136 = tpu.memref_slice %arg5[%add3A_129, %dma_start3A_135] : memref<32768x1024xf32, #tpu.memory_space<hbm>> -> memref<8x1024xf32, #tpu.memory_space<hbm>>
      %dma_start3A_137 = arith.constant 0 : i32
      %dma_start3A_138 = tpu.memref_slice %arg5[%add3A_129, %dma_start3A_137] : memref<32768x1024xf32, #tpu.memory_space<hbm>> -> memref<8x1024xf32, #tpu.memory_space<hbm>>
      %dma_start3A_139 = arith.constant 0 : i32
      %dma_start3A_140 = arith.constant 0 : i32
      %dma_start3A_141 = tpu.memref_slice %arg9[%dma_start3A_130, %dma_start3A_139, %dma_start3A_140] : memref<2x16x1024xf32, #tpu.memory_space<vmem>> -> memref<1x8x1024xf32, #tpu.memory_space<vmem>>
      %dma_start3A_142 = tpu.memref_squeeze %dma_start3A_141 : memref<1x8x1024xf32, #tpu.memory_space<vmem>> -> memref<8x1024xf32, #tpu.memory_space<vmem>>
      tpu.enqueue_dma source(%dma_start3A_142 : memref<8x1024xf32, #tpu.memory_space<vmem>>) target(%dma_start3A_138 : memref<8x1024xf32, #tpu.memory_space<hbm>>) target_semaphore(%arg14 : memref<!tpu.dma_semaphore, #tpu.memory_space<semaphore_mem>>)
      %parallel_loop3A_143 = arith.constant 512 : i32
      %parallel_loop3A_144 = arith.constant 1024 : i32
      %parallel_loop3A_145 = arith.constant 1 : i32
      %parallel_loop3A_146 = arith.constant 0 : i32
      %parallel_loop3A_147 = arith.constant 0 : i32
      %parallel_loop3A_148 = arith.constant 0 : i32
      scf.for %parallel_loop3A_262 = %parallel_loop3A_143 to %parallel_loop3A_144 step %parallel_loop3A_145  : i32 {
        %parallel_loop3A_263 = arith.constant 6 : i32
        %parallel_loop3A_264 = arith.shrsi %parallel_loop3A_262, %parallel_loop3A_263 : i32
        %parallel_loop3A_265 = arith.constant 63 : i32
        %parallel_loop3A_266 = arith.andi %parallel_loop3A_262, %parallel_loop3A_265 : i32
        %parallel_loop3A_267 = arith.constant 16 : i32
        %parallel_loop3A_268 = arith.muli %parallel_loop3A_266, %parallel_loop3A_267 : i32
        %parallel_loop3A_269 = arith.constant 0 : i32
        %parallel_loop3A_270 = arith.constant 0 : i32
        %parallel_loop3A_271 = tpu.memref_slice %arg7[%parallel_loop3A_146, %parallel_loop3A_269, %parallel_loop3A_270] : memref<2x16x1024xf32, #tpu.memory_space<vmem>> -> memref<1x16x1024xf32, #tpu.memory_space<vmem>>
        %parallel_loop3A_272 = tpu.memref_squeeze %parallel_loop3A_271 : memref<1x16x1024xf32, #tpu.memory_space<vmem>> -> memref<16x1024xf32, #tpu.memory_space<vmem>>
        %parallel_loop3A_273 = arith.index_cast %parallel_loop3A_264 : i32 to index
        %parallel_loop3A_274 = arith.index_cast %parallel_loop3A_268 : i32 to index
        %parallel_loop3A_275 = tpu.vector_load %parallel_loop3A_272[%parallel_loop3A_273, %parallel_loop3A_274] {strides = array<i32>} : memref<16x1024xf32, #tpu.memory_space<vmem>>, vector<1x16xf32>,
        %parallel_loop3A_276 = vector.shape_cast %parallel_loop3A_275 : vector<1x16xf32> to vector<16xf32>
        %parallel_loop3A_277 = arith.constant 3.200000e+01 : f32
        %parallel_loop3A_278 = vector.broadcast %parallel_loop3A_277 : f32 to vector<16xf32>
        %parallel_loop3A_279 = arith.mulf %parallel_loop3A_276, %parallel_loop3A_278 : vector<16xf32>
        %parallel_loop3A_280 = arith.constant 0 : i32
        %parallel_loop3A_281 = arith.constant 0 : i32
        %parallel_loop3A_282 = tpu.memref_slice %arg8[%parallel_loop3A_147, %parallel_loop3A_280, %parallel_loop3A_281] : memref<2x16x1024xf32, #tpu.memory_space<vmem>> -> memref<1x16x1024xf32, #tpu.memory_space<vmem>>
        %parallel_loop3A_283 = tpu.memref_squeeze %parallel_loop3A_282 : memref<1x16x1024xf32, #tpu.memory_space<vmem>> -> memref<16x1024xf32, #tpu.memory_space<vmem>>
        %parallel_loop3A_284 = arith.index_cast %parallel_loop3A_264 : i32 to index
        %parallel_loop3A_285 = arith.index_cast %parallel_loop3A_268 : i32 to index
        %parallel_loop3A_286 = tpu.vector_load %parallel_loop3A_283[%parallel_loop3A_284, %parallel_loop3A_285] {strides = array<i32>} : memref<16x1024xf32, #tpu.memory_space<vmem>>, vector<1x16xf32>,
        %parallel_loop3A_287 = vector.shape_cast %parallel_loop3A_286 : vector<1x16xf32> to vector<16xf32>
        %parallel_loop3A_288 = arith.addf %parallel_loop3A_279, %parallel_loop3A_287 : vector<16xf32>
        %parallel_loop3A_289 = arith.constant 0 : i32
        %parallel_loop3A_290 = arith.constant 0 : i32
        %parallel_loop3A_291 = tpu.memref_slice %arg9[%parallel_loop3A_148, %parallel_loop3A_289, %parallel_loop3A_290] : memref<2x16x1024xf32, #tpu.memory_space<vmem>> -> memref<1x16x1024xf32, #tpu.memory_space<vmem>>
        %parallel_loop3A_292 = tpu.memref_squeeze %parallel_loop3A_291 : memref<1x16x1024xf32, #tpu.memory_space<vmem>> -> memref<16x1024xf32, #tpu.memory_space<vmem>>
        %parallel_loop3A_293 = arith.index_cast %parallel_loop3A_264 : i32 to index
        %parallel_loop3A_294 = arith.index_cast %parallel_loop3A_268 : i32 to index
        %parallel_loop3A_295 = tpu.vector_load %parallel_loop3A_292[%parallel_loop3A_293, %parallel_loop3A_294] {strides = array<i32>} : memref<16x1024xf32, #tpu.memory_space<vmem>>, vector<1x16xf32>,
        %parallel_loop3A_296 = vector.shape_cast %parallel_loop3A_295 : vector<1x16xf32> to vector<16xf32>
        %parallel_loop3A_297 = vector.shape_cast %parallel_loop3A_288 : vector<16xf32> to vector<1x16xf32>
        tpu.vector_store %parallel_loop3A_292[%parallel_loop3A_293, %parallel_loop3A_294], %parallel_loop3A_297 {strides = array<i32>} : memref<16x1024xf32, #tpu.memory_space<vmem>>, vector<1x16xf32>,
      } {sc.loop_unroll_factor = 16 : i64, sc.parallel_access}
      %mul3A_149 = arith.constant 16 : i32
      %mul3A_150 = arith.muli %add3A_90, %mul3A_149 : i32
      %add3A_151 = arith.addi %mul3A_2, %mul3A_150 : i32
      %add3A_152 = arith.constant 8 : i32
      %add3A_153 = arith.addi %add3A_151, %add3A_152 : i32
      %dma_start3A_154 = arith.constant 0 : i32
      %dma_start3A_155 = arith.constant 8 : i32
      %dma_start3A_156 = arith.constant 0 : i32
      %dma_start3A_157 = tpu.memref_slice %arg9[%dma_start3A_154, %dma_start3A_155, %dma_start3A_156] : memref<2x16x1024xf32, #tpu.memory_space<vmem>> -> memref<1x8x1024xf32, #tpu.memory_space<vmem>>
      %dma_start3A_158 = tpu.memref_squeeze %dma_start3A_157 : memref<1x8x1024xf32, #tpu.memory_space<vmem>> -> memref<8x1024xf32, #tpu.memory_space<vmem>>
      %dma_start3A_159 = arith.constant 0 : i32
      %dma_start3A_160 = tpu.memref_slice %arg5[%add3A_153, %dma_start3A_159] : memref<32768x1024xf32, #tpu.memory_space<hbm>> -> memref<8x1024xf32, #tpu.memory_space<hbm>>
      %dma_start3A_161 = arith.constant 0 : i32
      %dma_start3A_162 = tpu.memref_slice %arg5[%add3A_153, %dma_start3A_161] : memref<32768x1024xf32, #tpu.memory_space<hbm>> -> memref<8x1024xf32, #tpu.memory_space<hbm>>
      %dma_start3A_163 = arith.constant 8 : i32
      %dma_start3A_164 = arith.constant 0 : i32
      %dma_start3A_165 = tpu.memref_slice %arg9[%dma_start3A_154, %dma_start3A_163, %dma_start3A_164] : memref<2x16x1024xf32, #tpu.memory_space<vmem>> -> memref<1x8x1024xf32, #tpu.memory_space<vmem>>
      %dma_start3A_166 = tpu.memref_squeeze %dma_start3A_165 : memref<1x8x1024xf32, #tpu.memory_space<vmem>> -> memref<8x1024xf32, #tpu.memory_space<vmem>>
      tpu.enqueue_dma source(%dma_start3A_166 : memref<8x1024xf32, #tpu.memory_space<vmem>>) target(%dma_start3A_162 : memref<8x1024xf32, #tpu.memory_space<hbm>>) target_semaphore(%arg14 : memref<!tpu.dma_semaphore, #tpu.memory_space<semaphore_mem>>)
      %add3A_167 = arith.constant 2 : i32
      %add3A_168 = arith.addi %add3A_90, %add3A_167 : i32
      %lt3A = arith.constant 64 : i32
      %lt3A_169 = arith.cmpi slt, %add3A_168, %lt3A : i32
      %convert_element_type3A_170 = arith.extui %lt3A_169 : i1 to i32
      %cond3A_171 = arith.constant 0 : i32
      %cond3A_172 = arith.cmpi ne, %convert_element_type3A_170, %cond3A_171 : i32
      scf.if %cond3A_172 {
        %add3A_262 = arith.constant 2 : i32
        %add3A_263 = arith.addi %add3A_90, %add3A_262 : i32
        %mul3A_264 = arith.constant 16 : i32
        %mul3A_265 = arith.muli %add3A_263, %mul3A_264 : i32
        %add3A_266 = arith.addi %mul3A_2, %mul3A_265 : i32
        %dma_start3A_267 = arith.constant 0 : i32
        %dma_start3A_268 = arith.constant 0 : i32
        %dma_start3A_269 = arith.constant 0 : i32
        %dma_start3A_270 = tpu.memref_slice %arg7[%dma_start3A_267, %dma_start3A_268, %dma_start3A_269] : memref<2x16x1024xf32, #tpu.memory_space<vmem>> -> memref<1x16x1024xf32, #tpu.memory_space<vmem>>
        %dma_start3A_271 = tpu.memref_squeeze %dma_start3A_270 : memref<1x16x1024xf32, #tpu.memory_space<vmem>> -> memref<16x1024xf32, #tpu.memory_space<vmem>>
        %dma_start3A_272 = arith.constant 0 : i32
        %dma_start3A_273 = tpu.memref_slice %arg2[%add3A_266, %dma_start3A_272] : memref<32768x1024xf32, #tpu.memory_space<hbm>> -> memref<16x1024xf32, #tpu.memory_space<hbm>>
        %dma_start3A_274 = arith.constant 0 : i32
        %dma_start3A_275 = arith.constant 0 : i32
        %dma_start3A_276 = tpu.memref_slice %arg7[%dma_start3A_267, %dma_start3A_274, %dma_start3A_275] : memref<2x16x1024xf32, #tpu.memory_space<vmem>> -> memref<1x16x1024xf32, #tpu.memory_space<vmem>>
        %dma_start3A_277 = tpu.memref_squeeze %dma_start3A_276 : memref<1x16x1024xf32, #tpu.memory_space<vmem>> -> memref<16x1024xf32, #tpu.memory_space<vmem>>
        %dma_start3A_278 = arith.constant 0 : i32
        %dma_start3A_279 = tpu.memref_slice %arg2[%add3A_266, %dma_start3A_278] : memref<32768x1024xf32, #tpu.memory_space<hbm>> -> memref<16x1024xf32, #tpu.memory_space<hbm>>
        tpu.enqueue_dma source(%dma_start3A_279 : memref<16x1024xf32, #tpu.memory_space<hbm>>) target(%dma_start3A_277 : memref<16x1024xf32, #tpu.memory_space<vmem>>) target_semaphore(%arg10 : memref<!tpu.dma_semaphore, #tpu.memory_space<semaphore_mem>>)
        %mul3A_280 = arith.constant 16 : i32
        %mul3A_281 = arith.muli %add3A_263, %mul3A_280 : i32
        %dma_start3A_282 = arith.constant 0 : i32
        %dma_start3A_283 = arith.constant 0 : i32
        %dma_start3A_284 = arith.constant 0 : i32
        %dma_start3A_285 = tpu.memref_slice %arg8[%dma_start3A_282, %dma_start3A_283, %dma_start3A_284] : memref<2x16x1024xf32, #tpu.memory_space<vmem>> -> memref<1x16x1024xf32, #tpu.memory_space<vmem>>
        %dma_start3A_286 = tpu.memref_squeeze %dma_start3A_285 : memref<1x16x1024xf32, #tpu.memory_space<vmem>> -> memref<16x1024xf32, #tpu.memory_space<vmem>>
        %dma_start3A_287 = tpu.memref_slice %arg6[%mul3A_281] : memref<1024xi32, #tpu.memory_space<vmem>> -> memref<16xi32, #tpu.memory_space<vmem>>
        %dma_start3A_288 = arith.constant 0 : i32
        %dma_start3A_289 = arith.constant 0 : i32
        %dma_start3A_290 = tpu.memref_slice %arg4[%dma_start3A_288, %dma_start3A_289] : memref<131072x1024xf32, #tpu.memory_space<hbm>> -> memref<131072x1024xf32, #tpu.memory_space<hbm>>
        tpu.enqueue_indirect_dma source(%dma_start3A_290 : memref<131072x1024xf32, #tpu.memory_space<hbm>>) target(%dma_start3A_286 : memref<16x1024xf32, #tpu.memory_space<vmem>>) offsets(%dma_start3A_287 : memref<16xi32, #tpu.memory_space<vmem>>) semaphore(%arg12 : memref<!tpu.dma_semaphore, #tpu.memory_space<semaphore_mem>>)
      } else {
      }
      %add3A_173 = arith.constant 1 : i32
      %add3A_174 = arith.addi %mul3A_88, %add3A_173 : i32
      %mul3A_175 = arith.constant 16 : i32
      %mul3A_176 = arith.muli %add3A_174, %mul3A_175 : i32
      %add3A_177 = arith.addi %mul3A_2, %mul3A_176 : i32
      %dma_wait3A_178 = arith.constant 1 : i32
      %dma_wait3A_179 = arith.constant 0 : i32
      %dma_wait3A_180 = arith.constant 0 : i32
      %dma_wait3A_181 = tpu.memref_slice %arg7[%dma_wait3A_178, %dma_wait3A_179, %dma_wait3A_180] : memref<2x16x1024xf32, #tpu.memory_space<vmem>> -> memref<1x16x1024xf32, #tpu.memory_space<vmem>>
      %dma_wait3A_182 = tpu.memref_squeeze %dma_wait3A_181 : memref<1x16x1024xf32, #tpu.memory_space<vmem>> -> memref<16x1024xf32, #tpu.memory_space<vmem>>
      %dma_wait3A_183 = arith.constant 0 : i32
      %dma_wait3A_184 = tpu.memref_slice %arg2[%add3A_177, %dma_wait3A_183] : memref<32768x1024xf32, #tpu.memory_space<hbm>> -> memref<16x1024xf32, #tpu.memory_space<hbm>>
      %dma_wait3A_185 = arith.constant 0 : i32
      %dma_wait3A_186 = arith.constant 0 : i32
      %dma_wait3A_187 = tpu.memref_slice %arg7[%dma_wait3A_178, %dma_wait3A_185, %dma_wait3A_186] : memref<2x16x1024xf32, #tpu.memory_space<vmem>> -> memref<1x16x1024xf32, #tpu.memory_space<vmem>>
      %dma_wait3A_188 = tpu.memref_squeeze %dma_wait3A_187 : memref<1x16x1024xf32, #tpu.memory_space<vmem>> -> memref<16x1024xf32, #tpu.memory_space<vmem>>
      %dma_wait3A_189 = arith.constant 0 : i32
      %dma_wait3A_190 = tpu.memref_slice %arg2[%add3A_177, %dma_wait3A_189] : memref<32768x1024xf32, #tpu.memory_space<hbm>> -> memref<16x1024xf32, #tpu.memory_space<hbm>>
      tpu.wait_dma2 semaphore(%arg11 : memref<!tpu.dma_semaphore, #tpu.memory_space<semaphore_mem>>) src(%dma_wait3A_190 : memref<16x1024xf32, #tpu.memory_space<hbm>>) dst(%dma_wait3A_188 : memref<16x1024xf32, #tpu.memory_space<vmem>>)
      %mul3A_191 = arith.constant 16 : i32
      %mul3A_192 = arith.muli %add3A_174, %mul3A_191 : i32
      %dma_wait3A_193 = arith.constant 1 : i32
      %dma_wait3A_194 = arith.constant 0 : i32
      %dma_wait3A_195 = arith.constant 0 : i32
      %dma_wait3A_196 = tpu.memref_slice %arg8[%dma_wait3A_193, %dma_wait3A_194, %dma_wait3A_195] : memref<2x16x1024xf32, #tpu.memory_space<vmem>> -> memref<1x16x1024xf32, #tpu.memory_space<vmem>>
      %dma_wait3A_197 = tpu.memref_squeeze %dma_wait3A_196 : memref<1x16x1024xf32, #tpu.memory_space<vmem>> -> memref<16x1024xf32, #tpu.memory_space<vmem>>
      %dma_wait3A_198 = tpu.memref_slice %arg6[%mul3A_192] : memref<1024xi32, #tpu.memory_space<vmem>> -> memref<16xi32, #tpu.memory_space<vmem>>
      %dma_wait3A_199 = arith.constant 0 : i32
      %dma_wait3A_200 = arith.constant 0 : i32
      %dma_wait3A_201 = tpu.memref_slice %arg4[%dma_wait3A_199, %dma_wait3A_200] : memref<131072x1024xf32, #tpu.memory_space<hbm>> -> memref<131072x1024xf32, #tpu.memory_space<hbm>>
      tpu.wait_indirect_dma semaphore(%arg13 : memref<!tpu.dma_semaphore, #tpu.memory_space<semaphore_mem>>) src(%dma_wait3A_201 : memref<131072x1024xf32, #tpu.memory_space<hbm>>) dst(%dma_wait3A_197 : memref<16x1024xf32, #tpu.memory_space<vmem>>)
      %ge3A_202 = arith.constant 2 : i32
      %ge3A_203 = arith.cmpi sge, %add3A_174, %ge3A_202 : i32
      %convert_element_type3A_204 = arith.extui %ge3A_203 : i1 to i32
      %cond3A_205 = arith.constant 0 : i32
      %cond3A_206 = arith.cmpi ne, %convert_element_type3A_204, %cond3A_205 : i32
      scf.if %cond3A_206 {
        %sub3A = arith.constant 2 : i32
        %sub3A_262 = arith.subi %add3A_174, %sub3A : i32
        %mul3A_263 = arith.constant 16 : i32
        %mul3A_264 = arith.muli %sub3A_262, %mul3A_263 : i32
        %add3A_265 = arith.addi %mul3A_2, %mul3A_264 : i32
        %dma_wait3A_266 = arith.constant 1 : i32
        %dma_wait3A_267 = arith.constant 0 : i32
        %dma_wait3A_268 = arith.constant 0 : i32
        %dma_wait3A_269 = tpu.memref_slice %arg9[%dma_wait3A_266, %dma_wait3A_267, %dma_wait3A_268] : memref<2x16x1024xf32, #tpu.memory_space<vmem>> -> memref<1x16x1024xf32, #tpu.memory_space<vmem>>
        %dma_wait3A_270 = tpu.memref_squeeze %dma_wait3A_269 : memref<1x16x1024xf32, #tpu.memory_space<vmem>> -> memref<16x1024xf32, #tpu.memory_space<vmem>>
        %dma_wait3A_271 = arith.constant 0 : i32
        %dma_wait3A_272 = tpu.memref_slice %arg5[%add3A_265, %dma_wait3A_271] : memref<32768x1024xf32, #tpu.memory_space<hbm>> -> memref<16x1024xf32, #tpu.memory_space<hbm>>
        %dma_wait3A_273 = arith.constant 0 : i32
        %dma_wait3A_274 = tpu.memref_slice %arg5[%add3A_265, %dma_wait3A_273] : memref<32768x1024xf32, #tpu.memory_space<hbm>> -> memref<16x1024xf32, #tpu.memory_space<hbm>>
        %dma_wait3A_275 = arith.constant 0 : i32
        %dma_wait3A_276 = arith.constant 0 : i32
        %dma_wait3A_277 = tpu.memref_slice %arg9[%dma_wait3A_266, %dma_wait3A_275, %dma_wait3A_276] : memref<2x16x1024xf32, #tpu.memory_space<vmem>> -> memref<1x16x1024xf32, #tpu.memory_space<vmem>>
        %dma_wait3A_278 = tpu.memref_squeeze %dma_wait3A_277 : memref<1x16x1024xf32, #tpu.memory_space<vmem>> -> memref<16x1024xf32, #tpu.memory_space<vmem>>
        tpu.wait_dma2 semaphore(%arg15 : memref<!tpu.dma_semaphore, #tpu.memory_space<semaphore_mem>>) src(%dma_wait3A_278 : memref<16x1024xf32, #tpu.memory_space<vmem>>) dst(%dma_wait3A_274 : memref<16x1024xf32, #tpu.memory_space<hbm>>)
      } else {
      }
      %parallel_loop3A_207 = arith.constant 0 : i32
      %parallel_loop3A_208 = arith.constant 512 : i32
      %parallel_loop3A_209 = arith.constant 1 : i32
      %parallel_loop3A_210 = arith.constant 1 : i32
      %parallel_loop3A_211 = arith.constant 1 : i32
      %parallel_loop3A_212 = arith.constant 1 : i32
      scf.for %parallel_loop3A_262 = %parallel_loop3A_207 to %parallel_loop3A_208 step %parallel_loop3A_209  : i32 {
        %parallel_loop3A_263 = arith.constant 6 : i32
        %parallel_loop3A_264 = arith.shrsi %parallel_loop3A_262, %parallel_loop3A_263 : i32
        %parallel_loop3A_265 = arith.constant 63 : i32
        %parallel_loop3A_266 = arith.andi %parallel_loop3A_262, %parallel_loop3A_265 : i32
        %parallel_loop3A_267 = arith.constant 16 : i32
        %parallel_loop3A_268 = arith.muli %parallel_loop3A_266, %parallel_loop3A_267 : i32
        %parallel_loop3A_269 = arith.constant 0 : i32
        %parallel_loop3A_270 = arith.constant 0 : i32
        %parallel_loop3A_271 = tpu.memref_slice %arg7[%parallel_loop3A_210, %parallel_loop3A_269, %parallel_loop3A_270] : memref<2x16x1024xf32, #tpu.memory_space<vmem>> -> memref<1x16x1024xf32, #tpu.memory_space<vmem>>
        %parallel_loop3A_272 = tpu.memref_squeeze %parallel_loop3A_271 : memref<1x16x1024xf32, #tpu.memory_space<vmem>> -> memref<16x1024xf32, #tpu.memory_space<vmem>>
        %parallel_loop3A_273 = arith.index_cast %parallel_loop3A_264 : i32 to index
        %parallel_loop3A_274 = arith.index_cast %parallel_loop3A_268 : i32 to index
        %parallel_loop3A_275 = tpu.vector_load %parallel_loop3A_272[%parallel_loop3A_273, %parallel_loop3A_274] {strides = array<i32>} : memref<16x1024xf32, #tpu.memory_space<vmem>>, vector<1x16xf32>,
        %parallel_loop3A_276 = vector.shape_cast %parallel_loop3A_275 : vector<1x16xf32> to vector<16xf32>
        %parallel_loop3A_277 = arith.constant 3.200000e+01 : f32
        %parallel_loop3A_278 = vector.broadcast %parallel_loop3A_277 : f32 to vector<16xf32>
        %parallel_loop3A_279 = arith.mulf %parallel_loop3A_276, %parallel_loop3A_278 : vector<16xf32>
        %parallel_loop3A_280 = arith.constant 0 : i32
        %parallel_loop3A_281 = arith.constant 0 : i32
        %parallel_loop3A_282 = tpu.memref_slice %arg8[%parallel_loop3A_211, %parallel_loop3A_280, %parallel_loop3A_281] : memref<2x16x1024xf32, #tpu.memory_space<vmem>> -> memref<1x16x1024xf32, #tpu.memory_space<vmem>>
        %parallel_loop3A_283 = tpu.memref_squeeze %parallel_loop3A_282 : memref<1x16x1024xf32, #tpu.memory_space<vmem>> -> memref<16x1024xf32, #tpu.memory_space<vmem>>
        %parallel_loop3A_284 = arith.index_cast %parallel_loop3A_264 : i32 to index
        %parallel_loop3A_285 = arith.index_cast %parallel_loop3A_268 : i32 to index
        %parallel_loop3A_286 = tpu.vector_load %parallel_loop3A_283[%parallel_loop3A_284, %parallel_loop3A_285] {strides = array<i32>} : memref<16x1024xf32, #tpu.memory_space<vmem>>, vector<1x16xf32>,
        %parallel_loop3A_287 = vector.shape_cast %parallel_loop3A_286 : vector<1x16xf32> to vector<16xf32>
        %parallel_loop3A_288 = arith.addf %parallel_loop3A_279, %parallel_loop3A_287 : vector<16xf32>
        %parallel_loop3A_289 = arith.constant 0 : i32
        %parallel_loop3A_290 = arith.constant 0 : i32
        %parallel_loop3A_291 = tpu.memref_slice %arg9[%parallel_loop3A_212, %parallel_loop3A_289, %parallel_loop3A_290] : memref<2x16x1024xf32, #tpu.memory_space<vmem>> -> memref<1x16x1024xf32, #tpu.memory_space<vmem>>
        %parallel_loop3A_292 = tpu.memref_squeeze %parallel_loop3A_291 : memref<1x16x1024xf32, #tpu.memory_space<vmem>> -> memref<16x1024xf32, #tpu.memory_space<vmem>>
        %parallel_loop3A_293 = arith.index_cast %parallel_loop3A_264 : i32 to index
        %parallel_loop3A_294 = arith.index_cast %parallel_loop3A_268 : i32 to index
        %parallel_loop3A_295 = tpu.vector_load %parallel_loop3A_292[%parallel_loop3A_293, %parallel_loop3A_294] {strides = array<i32>} : memref<16x1024xf32, #tpu.memory_space<vmem>>, vector<1x16xf32>,
        %parallel_loop3A_296 = vector.shape_cast %parallel_loop3A_295 : vector<1x16xf32> to vector<16xf32>
        %parallel_loop3A_297 = vector.shape_cast %parallel_loop3A_288 : vector<16xf32> to vector<1x16xf32>
        tpu.vector_store %parallel_loop3A_292[%parallel_loop3A_293, %parallel_loop3A_294], %parallel_loop3A_297 {strides = array<i32>} : memref<16x1024xf32, #tpu.memory_space<vmem>>, vector<1x16xf32>,
      } {sc.loop_unroll_factor = 16 : i64, sc.parallel_access}
      %mul3A_213 = arith.constant 16 : i32
      %mul3A_214 = arith.muli %add3A_174, %mul3A_213 : i32
      %add3A_215 = arith.addi %mul3A_2, %mul3A_214 : i32
      %add3A_216 = arith.constant 0 : i32
      %add3A_217 = arith.addi %add3A_215, %add3A_216 : i32
      %dma_start3A_218 = arith.constant 1 : i32
      %dma_start3A_219 = arith.constant 0 : i32
      %dma_start3A_220 = arith.constant 0 : i32
      %dma_start3A_221 = tpu.memref_slice %arg9[%dma_start3A_218, %dma_start3A_219, %dma_start3A_220] : memref<2x16x1024xf32, #tpu.memory_space<vmem>> -> memref<1x8x1024xf32, #tpu.memory_space<vmem>>
      %dma_start3A_222 = tpu.memref_squeeze %dma_start3A_221 : memref<1x8x1024xf32, #tpu.memory_space<vmem>> -> memref<8x1024xf32, #tpu.memory_space<vmem>>
      %dma_start3A_223 = arith.constant 0 : i32
      %dma_start3A_224 = tpu.memref_slice %arg5[%add3A_217, %dma_start3A_223] : memref<32768x1024xf32, #tpu.memory_space<hbm>> -> memref<8x1024xf32, #tpu.memory_space<hbm>>
      %dma_start3A_225 = arith.constant 0 : i32
      %dma_start3A_226 = tpu.memref_slice %arg5[%add3A_217, %dma_start3A_225] : memref<32768x1024xf32, #tpu.memory_space<hbm>> -> memref<8x1024xf32, #tpu.memory_space<hbm>>
      %dma_start3A_227 = arith.constant 0 : i32
      %dma_start3A_228 = arith.constant 0 : i32
      %dma_start3A_229 = tpu.memref_slice %arg9[%dma_start3A_218, %dma_start3A_227, %dma_start3A_228] : memref<2x16x1024xf32, #tpu.memory_space<vmem>> -> memref<1x8x1024xf32, #tpu.memory_space<vmem>>
      %dma_start3A_230 = tpu.memref_squeeze %dma_start3A_229 : memref<1x8x1024xf32, #tpu.memory_space<vmem>> -> memref<8x1024xf32, #tpu.memory_space<vmem>>
      tpu.enqueue_dma source(%dma_start3A_230 : memref<8x1024xf32, #tpu.memory_space<vmem>>) target(%dma_start3A_226 : memref<8x1024xf32, #tpu.memory_space<hbm>>) target_semaphore(%arg15 : memref<!tpu.dma_semaphore, #tpu.memory_space<semaphore_mem>>)
      %parallel_loop3A_231 = arith.constant 512 : i32
      %parallel_loop3A_232 = arith.constant 1024 : i32
      %parallel_loop3A_233 = arith.constant 1 : i32
      %parallel_loop3A_234 = arith.constant 1 : i32
      %parallel_loop3A_235 = arith.constant 1 : i32
      %parallel_loop3A_236 = arith.constant 1 : i32
      scf.for %parallel_loop3A_262 = %parallel_loop3A_231 to %parallel_loop3A_232 step %parallel_loop3A_233  : i32 {
        %parallel_loop3A_263 = arith.constant 6 : i32
        %parallel_loop3A_264 = arith.shrsi %parallel_loop3A_262, %parallel_loop3A_263 : i32
        %parallel_loop3A_265 = arith.constant 63 : i32
        %parallel_loop3A_266 = arith.andi %parallel_loop3A_262, %parallel_loop3A_265 : i32
        %parallel_loop3A_267 = arith.constant 16 : i32
        %parallel_loop3A_268 = arith.muli %parallel_loop3A_266, %parallel_loop3A_267 : i32
        %parallel_loop3A_269 = arith.constant 0 : i32
        %parallel_loop3A_270 = arith.constant 0 : i32
        %parallel_loop3A_271 = tpu.memref_slice %arg7[%parallel_loop3A_234, %parallel_loop3A_269, %parallel_loop3A_270] : memref<2x16x1024xf32, #tpu.memory_space<vmem>> -> memref<1x16x1024xf32, #tpu.memory_space<vmem>>
        %parallel_loop3A_272 = tpu.memref_squeeze %parallel_loop3A_271 : memref<1x16x1024xf32, #tpu.memory_space<vmem>> -> memref<16x1024xf32, #tpu.memory_space<vmem>>
        %parallel_loop3A_273 = arith.index_cast %parallel_loop3A_264 : i32 to index
        %parallel_loop3A_274 = arith.index_cast %parallel_loop3A_268 : i32 to index
        %parallel_loop3A_275 = tpu.vector_load %parallel_loop3A_272[%parallel_loop3A_273, %parallel_loop3A_274] {strides = array<i32>} : memref<16x1024xf32, #tpu.memory_space<vmem>>, vector<1x16xf32>,
        %parallel_loop3A_276 = vector.shape_cast %parallel_loop3A_275 : vector<1x16xf32> to vector<16xf32>
        %parallel_loop3A_277 = arith.constant 3.200000e+01 : f32
        %parallel_loop3A_278 = vector.broadcast %parallel_loop3A_277 : f32 to vector<16xf32>
        %parallel_loop3A_279 = arith.mulf %parallel_loop3A_276, %parallel_loop3A_278 : vector<16xf32>
        %parallel_loop3A_280 = arith.constant 0 : i32
        %parallel_loop3A_281 = arith.constant 0 : i32
        %parallel_loop3A_282 = tpu.memref_slice %arg8[%parallel_loop3A_235, %parallel_loop3A_280, %parallel_loop3A_281] : memref<2x16x1024xf32, #tpu.memory_space<vmem>> -> memref<1x16x1024xf32, #tpu.memory_space<vmem>>
        %parallel_loop3A_283 = tpu.memref_squeeze %parallel_loop3A_282 : memref<1x16x1024xf32, #tpu.memory_space<vmem>> -> memref<16x1024xf32, #tpu.memory_space<vmem>>
        %parallel_loop3A_284 = arith.index_cast %parallel_loop3A_264 : i32 to index
        %parallel_loop3A_285 = arith.index_cast %parallel_loop3A_268 : i32 to index
        %parallel_loop3A_286 = tpu.vector_load %parallel_loop3A_283[%parallel_loop3A_284, %parallel_loop3A_285] {strides = array<i32>} : memref<16x1024xf32, #tpu.memory_space<vmem>>, vector<1x16xf32>,
        %parallel_loop3A_287 = vector.shape_cast %parallel_loop3A_286 : vector<1x16xf32> to vector<16xf32>
        %parallel_loop3A_288 = arith.addf %parallel_loop3A_279, %parallel_loop3A_287 : vector<16xf32>
        %parallel_loop3A_289 = arith.constant 0 : i32
        %parallel_loop3A_290 = arith.constant 0 : i32
        %parallel_loop3A_291 = tpu.memref_slice %arg9[%parallel_loop3A_236, %parallel_loop3A_289, %parallel_loop3A_290] : memref<2x16x1024xf32, #tpu.memory_space<vmem>> -> memref<1x16x1024xf32, #tpu.memory_space<vmem>>
        %parallel_loop3A_292 = tpu.memref_squeeze %parallel_loop3A_291 : memref<1x16x1024xf32, #tpu.memory_space<vmem>> -> memref<16x1024xf32, #tpu.memory_space<vmem>>
        %parallel_loop3A_293 = arith.index_cast %parallel_loop3A_264 : i32 to index
        %parallel_loop3A_294 = arith.index_cast %parallel_loop3A_268 : i32 to index
        %parallel_loop3A_295 = tpu.vector_load %parallel_loop3A_292[%parallel_loop3A_293, %parallel_loop3A_294] {strides = array<i32>} : memref<16x1024xf32, #tpu.memory_space<vmem>>, vector<1x16xf32>,
        %parallel_loop3A_296 = vector.shape_cast %parallel_loop3A_295 : vector<1x16xf32> to vector<16xf32>
        %parallel_loop3A_297 = vector.shape_cast %parallel_loop3A_288 : vector<16xf32> to vector<1x16xf32>
        tpu.vector_store %parallel_loop3A_292[%parallel_loop3A_293, %parallel_loop3A_294], %parallel_loop3A_297 {strides = array<i32>} : memref<16x1024xf32, #tpu.memory_space<vmem>>, vector<1x16xf32>,
      } {sc.loop_unroll_factor = 16 : i64, sc.parallel_access}
      %mul3A_237 = arith.constant 16 : i32
      %mul3A_238 = arith.muli %add3A_174, %mul3A_237 : i32
      %add3A_239 = arith.addi %mul3A_2, %mul3A_238 : i32
      %add3A_240 = arith.constant 8 : i32
      %add3A_241 = arith.addi %add3A_239, %add3A_240 : i32
      %dma_start3A_242 = arith.constant 1 : i32
      %dma_start3A_243 = arith.constant 8 : i32
      %dma_start3A_244 = arith.constant 0 : i32
      %dma_start3A_245 = tpu.memref_slice %arg9[%dma_start3A_242, %dma_start3A_243, %dma_start3A_244] : memref<2x16x1024xf32, #tpu.memory_space<vmem>> -> memref<1x8x1024xf32, #tpu.memory_space<vmem>>
      %dma_start3A_246 = tpu.memref_squeeze %dma_start3A_245 : memref<1x8x1024xf32, #tpu.memory_space<vmem>> -> memref<8x1024xf32, #tpu.memory_space<vmem>>
      %dma_start3A_247 = arith.constant 0 : i32
      %dma_start3A_248 = tpu.memref_slice %arg5[%add3A_241, %dma_start3A_247] : memref<32768x1024xf32, #tpu.memory_space<hbm>> -> memref<8x1024xf32, #tpu.memory_space<hbm>>
      %dma_start3A_249 = arith.constant 0 : i32
      %dma_start3A_250 = tpu.memref_slice %arg5[%add3A_241, %dma_start3A_249] : memref<32768x1024xf32, #tpu.memory_space<hbm>> -> memref<8x1024xf32, #tpu.memory_space<hbm>>
      %dma_start3A_251 = arith.constant 8 : i32
      %dma_start3A_252 = arith.constant 0 : i32
      %dma_start3A_253 = tpu.memref_slice %arg9[%dma_start3A_242, %dma_start3A_251, %dma_start3A_252] : memref<2x16x1024xf32, #tpu.memory_space<vmem>> -> memref<1x8x1024xf32, #tpu.memory_space<vmem>>
      %dma_start3A_254 = tpu.memref_squeeze %dma_start3A_253 : memref<1x8x1024xf32, #tpu.memory_space<vmem>> -> memref<8x1024xf32, #tpu.memory_space<vmem>>
      tpu.enqueue_dma source(%dma_start3A_254 : memref<8x1024xf32, #tpu.memory_space<vmem>>) target(%dma_start3A_250 : memref<8x1024xf32, #tpu.memory_space<hbm>>) target_semaphore(%arg15 : memref<!tpu.dma_semaphore, #tpu.memory_space<semaphore_mem>>)
      %add3A_255 = arith.constant 2 : i32
      %add3A_256 = arith.addi %add3A_174, %add3A_255 : i32
      %lt3A_257 = arith.constant 64 : i32
      %lt3A_258 = arith.cmpi slt, %add3A_256, %lt3A_257 : i32
      %convert_element_type3A_259 = arith.extui %lt3A_258 : i1 to i32
      %cond3A_260 = arith.constant 0 : i32
      %cond3A_261 = arith.cmpi ne, %convert_element_type3A_259, %cond3A_260 : i32
      scf.if %cond3A_261 {
        %add3A_262 = arith.constant 2 : i32
        %add3A_263 = arith.addi %add3A_174, %add3A_262 : i32
        %mul3A_264 = arith.constant 16 : i32
        %mul3A_265 = arith.muli %add3A_263, %mul3A_264 : i32
        %add3A_266 = arith.addi %mul3A_2, %mul3A_265 : i32
        %dma_start3A_267 = arith.constant 1 : i32
        %dma_start3A_268 = arith.constant 0 : i32
        %dma_start3A_269 = arith.constant 0 : i32
        %dma_start3A_270 = tpu.memref_slice %arg7[%dma_start3A_267, %dma_start3A_268, %dma_start3A_269] : memref<2x16x1024xf32, #tpu.memory_space<vmem>> -> memref<1x16x1024xf32, #tpu.memory_space<vmem>>
        %dma_start3A_271 = tpu.memref_squeeze %dma_start3A_270 : memref<1x16x1024xf32, #tpu.memory_space<vmem>> -> memref<16x1024xf32, #tpu.memory_space<vmem>>
        %dma_start3A_272 = arith.constant 0 : i32
        %dma_start3A_273 = tpu.memref_slice %arg2[%add3A_266, %dma_start3A_272] : memref<32768x1024xf32, #tpu.memory_space<hbm>> -> memref<16x1024xf32, #tpu.memory_space<hbm>>
        %dma_start3A_274 = arith.constant 0 : i32
        %dma_start3A_275 = arith.constant 0 : i32
        %dma_start3A_276 = tpu.memref_slice %arg7[%dma_start3A_267, %dma_start3A_274, %dma_start3A_275] : memref<2x16x1024xf32, #tpu.memory_space<vmem>> -> memref<1x16x1024xf32, #tpu.memory_space<vmem>>
        %dma_start3A_277 = tpu.memref_squeeze %dma_start3A_276 : memref<1x16x1024xf32, #tpu.memory_space<vmem>> -> memref<16x1024xf32, #tpu.memory_space<vmem>>
        %dma_start3A_278 = arith.constant 0 : i32
        %dma_start3A_279 = tpu.memref_slice %arg2[%add3A_266, %dma_start3A_278] : memref<32768x1024xf32, #tpu.memory_space<hbm>> -> memref<16x1024xf32, #tpu.memory_space<hbm>>
        tpu.enqueue_dma source(%dma_start3A_279 : memref<16x1024xf32, #tpu.memory_space<hbm>>) target(%dma_start3A_277 : memref<16x1024xf32, #tpu.memory_space<vmem>>) target_semaphore(%arg11 : memref<!tpu.dma_semaphore, #tpu.memory_space<semaphore_mem>>)
        %mul3A_280 = arith.constant 16 : i32
        %mul3A_281 = arith.muli %add3A_263, %mul3A_280 : i32
        %dma_start3A_282 = arith.constant 1 : i32
        %dma_start3A_283 = arith.constant 0 : i32
        %dma_start3A_284 = arith.constant 0 : i32
        %dma_start3A_285 = tpu.memref_slice %arg8[%dma_start3A_282, %dma_start3A_283, %dma_start3A_284] : memref<2x16x1024xf32, #tpu.memory_space<vmem>> -> memref<1x16x1024xf32, #tpu.memory_space<vmem>>
        %dma_start3A_286 = tpu.memref_squeeze %dma_start3A_285 : memref<1x16x1024xf32, #tpu.memory_space<vmem>> -> memref<16x1024xf32, #tpu.memory_space<vmem>>
        %dma_start3A_287 = tpu.memref_slice %arg6[%mul3A_281] : memref<1024xi32, #tpu.memory_space<vmem>> -> memref<16xi32, #tpu.memory_space<vmem>>
        %dma_start3A_288 = arith.constant 0 : i32
        %dma_start3A_289 = arith.constant 0 : i32
        %dma_start3A_290 = tpu.memref_slice %arg4[%dma_start3A_288, %dma_start3A_289] : memref<131072x1024xf32, #tpu.memory_space<hbm>> -> memref<131072x1024xf32, #tpu.memory_space<hbm>>
        tpu.enqueue_indirect_dma source(%dma_start3A_290 : memref<131072x1024xf32, #tpu.memory_space<hbm>>) target(%dma_start3A_286 : memref<16x1024xf32, #tpu.memory_space<vmem>>) offsets(%dma_start3A_287 : memref<16xi32, #tpu.memory_space<vmem>>) semaphore(%arg13 : memref<!tpu.dma_semaphore, #tpu.memory_space<semaphore_mem>>)
      } else {
      }
    }
    %scan3A_56 = arith.constant 32 : i32
    %add3A_57 = arith.constant 992 : i32
    %add3A_58 = arith.addi %mul3A_2, %add3A_57 : i32
    %dma_wait3A = arith.constant 0 : i32
    %dma_wait3A_59 = arith.constant 0 : i32
    %dma_wait3A_60 = arith.constant 0 : i32
    %dma_wait3A_61 = tpu.memref_slice %arg9[%dma_wait3A, %dma_wait3A_59, %dma_wait3A_60] : memref<2x16x1024xf32, #tpu.memory_space<vmem>> -> memref<1x16x1024xf32, #tpu.memory_space<vmem>>
    %dma_wait3A_62 = tpu.memref_squeeze %dma_wait3A_61 : memref<1x16x1024xf32, #tpu.memory_space<vmem>> -> memref<16x1024xf32, #tpu.memory_space<vmem>>
    %dma_wait3A_63 = arith.constant 0 : i32
    %dma_wait3A_64 = tpu.memref_slice %arg5[%add3A_58, %dma_wait3A_63] : memref<32768x1024xf32, #tpu.memory_space<hbm>> -> memref<16x1024xf32, #tpu.memory_space<hbm>>
    %dma_wait3A_65 = arith.constant 0 : i32
    %dma_wait3A_66 = tpu.memref_slice %arg5[%add3A_58, %dma_wait3A_65] : memref<32768x1024xf32, #tpu.memory_space<hbm>> -> memref<16x1024xf32, #tpu.memory_space<hbm>>
    %dma_wait3A_67 = arith.constant 0 : i32
    %dma_wait3A_68 = arith.constant 0 : i32
    %dma_wait3A_69 = tpu.memref_slice %arg9[%dma_wait3A, %dma_wait3A_67, %dma_wait3A_68] : memref<2x16x1024xf32, #tpu.memory_space<vmem>> -> memref<1x16x1024xf32, #tpu.memory_space<vmem>>
    %dma_wait3A_70 = tpu.memref_squeeze %dma_wait3A_69 : memref<1x16x1024xf32, #tpu.memory_space<vmem>> -> memref<16x1024xf32, #tpu.memory_space<vmem>>
    tpu.wait_dma2 semaphore(%arg14 : memref<!tpu.dma_semaphore, #tpu.memory_space<semaphore_mem>>) src(%dma_wait3A_70 : memref<16x1024xf32, #tpu.memory_space<vmem>>) dst(%dma_wait3A_66 : memref<16x1024xf32, #tpu.memory_space<hbm>>)
    %add3A_71 = arith.constant 1008 : i32
    %add3A_72 = arith.addi %mul3A_2, %add3A_71 : i32
    %dma_wait3A_73 = arith.constant 1 : i32
    %dma_wait3A_74 = arith.constant 0 : i32
    %dma_wait3A_75 = arith.constant 0 : i32
    %dma_wait3A_76 = tpu.memref_slice %arg9[%dma_wait3A_73, %dma_wait3A_74, %dma_wait3A_75] : memref<2x16x1024xf32, #tpu.memory_space<vmem>> -> memref<1x16x1024xf32, #tpu.memory_space<vmem>>
    %dma_wait3A_77 = tpu.memref_squeeze %dma_wait3A_76 : memref<1x16x1024xf32, #tpu.memory_space<vmem>> -> memref<16x1024xf32, #tpu.memory_space<vmem>>
    %dma_wait3A_78 = arith.constant 0 : i32
    %dma_wait3A_79 = tpu.memref_slice %arg5[%add3A_72, %dma_wait3A_78] : memref<32768x1024xf32, #tpu.memory_space<hbm>> -> memref<16x1024xf32, #tpu.memory_space<hbm>>
    %dma_wait3A_80 = arith.constant 0 : i32
    %dma_wait3A_81 = tpu.memref_slice %arg5[%add3A_72, %dma_wait3A_80] : memref<32768x1024xf32, #tpu.memory_space<hbm>> -> memref<16x1024xf32, #tpu.memory_space<hbm>>
    %dma_wait3A_82 = arith.constant 0 : i32
    %dma_wait3A_83 = arith.constant 0 : i32
    %dma_wait3A_84 = tpu.memref_slice %arg9[%dma_wait3A_73, %dma_wait3A_82, %dma_wait3A_83] : memref<2x16x1024xf32, #tpu.memory_space<vmem>> -> memref<1x16x1024xf32, #tpu.memory_space<vmem>>
    %dma_wait3A_85 = tpu.memref_squeeze %dma_wait3A_84 : memref<1x16x1024xf32, #tpu.memory_space<vmem>> -> memref<16x1024xf32, #tpu.memory_space<vmem>>
    tpu.wait_dma2 semaphore(%arg15 : memref<!tpu.dma_semaphore, #tpu.memory_space<semaphore_mem>>) src(%dma_wait3A_85 : memref<16x1024xf32, #tpu.memory_space<vmem>>) dst(%dma_wait3A_81 : memref<16x1024xf32, #tpu.memory_space<hbm>>)
    return
  }
}

</mosaic_0001>

<sc_bundles>
// kernel: kernel.3.cloned.1.call-start
scs
__scs_entry_jumppad:
0x0: {  	(pc) =	sbr.rel $0x88, $3  }
0x1: {  	(tag) =	ssettag $0x0;
	lr =	simm.s32 $0x1  }
0x2: {  	[smem:$0x3F9E] =	sst lr;
	_ =	strace $0xD0000000  }
0x3: {  	_ = 	snop  }
0x4: {  	_ = 	snop  }
0x5: {  	_ = 	snop  }
0x6: {  	_ = 	snop  }
0x7: {  	_ = 	snop  }
__scs_overlays_trampoline_lowered:
0x8: {  	[smem:$0x3FAD] =	sst s0  }
0x9: {  	[smem:$0x3FAE] =	sst s1  }
0xa: {  	[smem:$0x3FAF] =	sst s2  }
0xb: {  	[smem:$0x3FB0] =	sst s3  }
0xc: {  	[smem:$0x3FB1] =	sst s4  }
0xd: {  	[smem:$0x3FB2] =	sst s5  }
0xe: {  	[smem:$0x3FB3] =	sst s6  }
0xf: {  	[smem:$0x3FB4] =	sst s7  }
0x10: {  	[smem:$0x3FB5] =	sst s8  }
0x11: {  	[smem:$0x3FB6] =	sst s9;
	s0 =	simm.s32 @!p0 $0x0  }
0x12: {  	s1 =	sld [smem:$0x3F9C];
	s0 =	simm.s32 @p0 $0x1  }
0x13: {  	[smem:$0x3FB7] =	sst s0;
	s0 =	simm.s32 @!p1 $0x0  }
0x14: {  	s2 =	sld [smem:$0x3F9B];
	s0 =	simm.s32 @p1 $0x1  }
0x15: {  	[smem:$0x3FB8] =	sst s0;
	s0 =	simm.s32 @!p2 $0x0  }
0x16: {  	s3 =	sld [smem:$0x3FDB];
	s0 =	simm.s32 @p2 $0x1  }
0x17: {  	s4 =	simm.s32 $0x1BF5;
	[smem:$0x3FBA] =	sst s0  }
0x18: {  	s0 =	sld [smem:$0x3F9D];
	_ =	swait.ge [sflag:s4], $0x0  }
0x19: {  	s7 =	sld [smem:$0x3F9E]  }
0x1a: {  	s8 =	sadd.s32 $0xFFFFE003, lr  }
0x1b: {  	s9 =	sadd.s32 $0xFFFFFEF7, lr;
	s5 =	simm.s32 $0xFFFFFFFF;
	p2 =	slt.u32 s8, $0xFFFFF086  }
0x1c: {  	p1 =	slt.u32 s9, $0xF7A;
	s5 =	simm.s32 @!p2 $0x0  }
0x1d: {  	s5 =	simm.s32 @p1 $0x1;
	p0 =	seq.s32 s7, s2  }
0x1e: {  	s7 =	smul.u32 @!p0 $0xF7A, s2;
	p2 =	seq.s32 @!p0 s5, $0x0  }
0x1f: {  	s9 =	smul.u32 $0xF7A, s1;
	s8 =	simm.s32 @!p0 $0x1BF5;
	p2 =	por !p2, p0  }
0x20: {  	[sflag:s8] =	ssyncset.s32 @!p0 $0xFFFFF086;
	s6 =	sadd.s32 @!p0 s3, s7;
	s7 =	simm.s32 @!p0 $0x108  }
0x21: {  	s3 =	sadd.s32 s3, s9;
	s6 =	sadd.s32 @!p0 $0x88, s6;
	s7 =	simm.s32 @p2 $0x1082  }
0x22: {  	[simem:s7], [sflag:s8] =	dma.local @!p0 [hbm:s6], $0xF7A  }
0x23: {  	s9 =	sor.u32 $0xD0000000, s2;
	s6 =	simm.s32 $0x108;
	_ =	swait.ge @!p0 [sflag:s8], $0x0  }
0x24: {  	s3 =	sadd.s32 $0x88, s3;
	s6 =	simm.s32 @!p1 $0x1082;
	[sflag:s4] =	ssyncset.s32 $0xFFFFF086  }
0x25: {  	[simem:s6], [sflag:s4] =	dma.local [hbm:s3], $0xF7A  }
0x26: {  	[smem:$0x3F9E] =	sst s1;
	(tag) =	ssettag s2;
	_ =	strace s9  }
0x27: {  	s1 =	sld [smem:$0x3FAE]  }
0x28: {  	s2 =	sld [smem:$0x3FAF]  }
0x29: {  	s4 =	sld [smem:$0x3FB1]  }
0x2a: {  	p0 =	seq.s32 s5, $0x0;
	s5 =	sld [smem:$0x3FB2]  }
0x2b: {  	s6 =	sld [smem:$0x3FB3]  }
0x2c: {  	s7 =	sld [smem:$0x3FB4]  }
0x2d: {  	s3 =	simm.s32 $0x108;
	s8 =	sld [smem:$0x3FB5]  }
0x2e: {  	s3 =	simm.s32 @!p0 $0x1082;
	s9 =	sld [smem:$0x3FB6]  }
0x2f: {  	lr =	sadd.s32 s0, s3;
	s0 =	sld [smem:$0x3FAD]  }
0x30: {  	s3 =	sld [smem:$0x3FB0]  }
0x31: {  	[smem:$0x3FB9] =	sst s10  }
0x32: {  	s10 =	sld [smem:$0x3FB7];
	_ =	sdelay $0x3  }
0x33: {  	p0 =	seq.s32 s10, $0x1;
	s10 =	sld [smem:$0x3FB9];
	_ =	sdelay $0x3  }
0x34: {  	[smem:$0x3FB9] =	sst s10  }
0x35: {  	s10 =	sld [smem:$0x3FB8];
	_ =	sdelay $0x3  }
0x36: {  	p1 =	seq.s32 s10, $0x1;
	s10 =	sld [smem:$0x3FB9];
	_ =	sdelay $0x3  }
0x37: {  	[smem:$0x3FB9] =	sst s10  }
0x38: {  	s10 =	sld [smem:$0x3FBA]  }
0x39: {  	_ = 	snop;
	(pc) =	sbr.ind lr, $3  }
0x3a: {  	_ = 	snop  }
0x3b: {  	_ = 	snop  }
0x3c: {  	p2 =	seq.s32 s10, $0x1;
	s10 =	sld [smem:$0x3FB9]  }
0x3d: {  	_ =	shalt  }
0x3e: {  	_ =	shalt  }
0x3f: {  	_ =	shalt  }
0x40: {  	_ =	shalt  }
0x41: {  	_ =	shalt  }
0x42: {  	_ =	shalt  }
0x43: {  	_ =	shalt  }
0x44: {  	_ =	shalt  }
0x45: {  	_ =	shalt  }
0x46: {  	_ =	shalt  }
0x47: {  	_ =	shalt  }
0x48: {  	_ =	shalt  }
0x49: {  	_ =	shalt  }
0x4a: {  	_ =	shalt  }
0x4b: {  	_ =	shalt  }
0x4c: {  	_ =	shalt  }
0x4d: {  	_ =	shalt  }
0x4e: {  	_ =	shalt  }
0x4f: {  	_ =	shalt  }
0x50: {  	_ =	shalt  }
0x51: {  	_ =	shalt  }
0x52: {  	_ =	shalt  }
0x53: {  	_ =	shalt  }
0x54: {  	_ =	shalt  }
0x55: {  	_ =	shalt  }
0x56: {  	_ =	shalt  }
0x57: {  	_ =	shalt  }
0x58: {  	_ =	shalt  }
0x59: {  	_ =	shalt  }
0x5a: {  	_ =	shalt  }
0x5b: {  	_ =	shalt  }
0x5c: {  	_ =	shalt  }
0x5d: {  	_ =	shalt  }
0x5e: {  	_ =	shalt  }
0x5f: {  	_ =	shalt  }
0x60: {  	_ =	shalt  }
0x61: {  	_ =	shalt  }
0x62: {  	_ =	shalt  }
0x63: {  	_ =	shalt  }
0x64: {  	_ =	shalt  }
0x65: {  	_ =	shalt  }
0x66: {  	_ =	shalt  }
0x67: {  	_ =	shalt  }
0x68: {  	_ =	shalt  }
0x69: {  	_ =	shalt  }
0x6a: {  	_ =	shalt  }
0x6b: {  	_ =	shalt  }
0x6c: {  	_ =	shalt  }
0x6d: {  	_ =	shalt  }
0x6e: {  	_ =	shalt  }
0x6f: {  	_ =	shalt  }
0x70: {  	_ =	shalt  }
0x71: {  	_ =	shalt  }
0x72: {  	_ =	shalt  }
0x73: {  	_ =	shalt  }
0x74: {  	_ =	shalt  }
0x75: {  	_ =	shalt  }
0x76: {  	_ =	shalt  }
0x77: {  	_ =	shalt  }
0x78: {  	_ =	shalt  }
0x79: {  	_ =	shalt  }
0x7a: {  	_ =	shalt  }
0x7b: {  	_ =	shalt  }
0x7c: {  	_ =	shalt  }
0x7d: {  	_ =	shalt  }
0x7e: {  	_ =	shalt  }
0x7f: {  	_ =	shalt  }
0x80: {  	_ =	shalt  }
0x81: {  	_ =	shalt  }
0x82: {  	_ =	shalt  }
0x83: {  	_ =	shalt  }
0x84: {  	_ =	shalt  }
0x85: {  	_ =	shalt  }
0x86: {  	_ =	shalt  }
0x87: {  	_ =	shalt  }
.Lfunc_end0:
.L_simem_size_0:
called_computation_lowered:
.L_overlay_start_0:
0x88: {  	s2 =	sld [smem:$0x3FD9]  }
0x89: {  	s3 =	sld [smem:$0x3FFE];
	_ =	sdelay $0x1  }
0x8a: {  	s1 =	srdreg.scid  }
0x8b: {  	s0 =	sand.u32 $0x1, s1  }
0x8c: {  	s17 =	sshll.u32 s0, $0xA;
	s2 =	sadd.s32 s3, s2  }
0x8d: {  	s2 =	sadd.s32 s2, s17  }
0x8e: {  	[smem:$0x3FC5] =	sst s2  }
0x8f: {  	_ = 	snop  }
0x90: {  	s2 =	sld [smem:$0x3FC9]  }
0x91: {  	s18 =	sld [smem:$0x3FC7]  }
0x92: {  	s4 =	sld [smem:$0x3FD0];
	(tm) =	ssettm $0x1  }
0x93: {  	s5 =	sld [smem:$0x3FFB];
	_ =	sdelay $0x3  }
0x94: {  	_ =	strace s5  }
0x95: {  	s5 =	sld [smem:$0x3FFC];
	_ =	sdelay $0x3  }
0x96: {  	_ =	strace s5  }
0x97: {  	s5 =	sld [smem:$0x3FFD];
	_ =	sdelay $0x3  }
0x98: {  	_ =	strace s5  }
0x99: {  	_ =	strace $0x8FFFFFFF  }
0x9a: {  	s19 =	sld [smem:$0x3FDB];
	_ =	sdelay $0x1  }
0x9b: {  	s6 =	simm.s32 $_scs_section_size  }
0x9c: {  	s7 =	simm.s32 $_size__tile_overlayer_lowered;
	s8 =	simm.s32 $_tile_overlayer_lowered  }
0x9d: {  	s22 =	simm.s32 $0x1BFF;
	s21 =	sshll.u32 s8, $0x1;
	s5 =	sadd.s32 s6, s19  }
0x9e: {  	s9 =	simm.s32 $0x0;
	s20 =	sshll.u32 s7, $0x1;
	s7 =	sadd.s32 s21, s5  }
0x9f: {  	[timem:s9], [sflag:s22] =	dma.local [hbm:s7], s20  }
0xa0: {  	_ =	swait.ge [sflag:s22], s20  }
0xa1: {  	s6 =	ssub.s32 $0x0, s20;
	[sflag:s22] =	ssyncset.done $0x0  }
0xa2: {  	[sflag:s22] =	ssyncadd.s32 s6;
	_ =	sdelay $0x1  }
0xa3: {  	s23 =	simm.s32 $0x1B8B  }
0xa4: {  	_ =	swait.ge [sflag:s23], $0x1  }
0xa5: {  	[sflag:s23] =	ssyncset.done $0x0  }
0xa6: {  	s25 =	simm.s32 $0x1B8E;
	s24 =	sld [smem:$0x3FFE];
	[sflag:s23] =	ssyncadd.s32 $0xFFFFFFFF  }
0xa7: {  	s26 =	simm.s32 $execute0_lowered;
	[smem:$0x3FD2] =	sst s25  }
0xa8: {  	s7 =	sshll.u32 s26, $0x1;
	_ =	strace $0x80000046;
	[dreg:$0x1] =	wrdreg $0xFFFFFFFF  }
0xa9: {  	s28 =	simm.s32 $_size_execute0_lowered;
	s5 =	sadd.s32 s5, s7;
	[dreg:$0x0] =	wrdreg $0x0  }
0xaa: {  	s7 =	sshll.u32 s28, $0x1;
	[dreg:$0x2] =	wrdreg s5  }
0xab: {  	[dreg:$0x3] =	wrdreg s7  }
0xac: {  	[dreg:$0x4] =	wrdreg $0xC0  }
0xad: {  	_ =	task [dreg:s9], $0x5FFFF  }
0xae: {  	[dreg:$0x1] =	wrdreg $0xFFFFFFFF  }
0xaf: {  	[dreg:$0x0] =	wrdreg $0x60  }
0xb0: {  	[dreg:$0x2] =	wrdreg s2  }
0xb1: {  	[dreg:$0x3] =	wrdreg s24  }
0xb2: {  	[dreg:$0x4] =	wrdreg s18  }
0xb3: {  	[dreg:$0x5] =	wrdreg s4  }
0xb4: {  	[dreg:$0x6] =	wrdreg $0x9  }
0xb5: {  	_ =	task.clear_ibuf [dreg:s9], $0x7FFFF;
	_ =	strace $0x90000046  }
0xb6: {  	s29 =	simm.s32 $0x9;
	_ =	strace $0x80000048  }
0xb7: {  	_ =	swait.ge [sflag:s29], $0x1  }
0xb8: {  	[sflag:s29] =	ssyncadd.s32 $0xFFFFFFFF  }
0xb9: {  	_ =	strace $0x90000048  }
0xba: {  	_ =	sfence  }
0xbb: {  	s30 =	sld [smem:$0x0];
	_ =	sdelay $0x2  }
0xbc: {  	s31 =	sshll.u32 s1, $0xD;
	s1 =	sshrl.u32 s1, $0x2  }
0xbd: {  	s3 =	sand.u32 $0x4000, s31;
	s1 =	sadd.s32 s1, s30  }
0xbe: {  	s0 =	sor.u32 s3, s0;
	s1 =	sshll.u32 s1, $0x11  }
0xbf: {  	s0 =	sor.u32 s1, s0  }
0xc0: {  	s0 =	sadd.s32 $0x8F2B, s0  }
0xc1: {  	[sflag:s0] =	ssyncadd.remote.s32 $0x1  }
0xc2: {  	_ =	sfence.sel $0xFFFF  }
0xc3: {  	[dreg:$0x0] =	wrdreg $0xFFFFFFFF;
	(pc) =	sbr.abs _section_cstart, $3  }
0xc4: {  	[dreg:$0x1] =	wrdreg $0xFFFFFFFF  }
0xc5: {  	_ =	task.clear_ibuf [dreg:s9], $0x2FFFF;
	_ =	strace $0x9FFFFFFF  }
0xc6: {  	(tm) =	ssettm $0x7FFFFFFF  }
0xc7: {  	_ =	shalt  }
tec
execute0_lowered:
.L_overlay_start_1:
0x0: {  	(tag) =	ssettag $0x1  }
0x1: {  	s1 =	rddreg [dreg:$0x0]  }
0x2: {  	s0 =	rddreg [dreg:$0x1]  }
0x3: {  	s3 =	rddreg [dreg:$0x2]  }
0x4: {  	s4 =	rddreg [dreg:$0x3]  }
0x5: {  	s2 =	srdreg.scid;
	s6 =	stileid.u32;
	s5 =	simm.s32 $0x0  }
0x6: {  	s17 =	simm.s32 $0x1;
	s18 =	simm.s32 $0x3;
	s20 =	simm.s32 $0x12400  }
0x7: {  	s21 =	simm.s32 $0x2;
	s22 =	simm.s32 $0x4;
	s23 =	simm.s32 $0x14400  }
0x8: {  	s24 =	simm.s32 $0x16400;
	s2 =	sand.u32 $0x1, s2;
	s6 =	sshll.u32 s6, $0xB  }
0x9: {  	[smem:$0x7FF] =	sst s5;
	s9 =	sadd.s32 $0x100, s3;
	s7 =	sshll.u32 s2, $0xA  }
0xa: {  	_ =	strace $0x80000047;
	s2 =	ssub.s32 $0x2, s2;
	s6 =	sor.u32 s7, s6  }
0xb: {  	s29 =	sshrl.u32 s2, $0x1;
	s7 =	sshrl.u32 s6, $0x3;
	s8 =	sshll.u32 s6, $0x7  }
.Ltmp0:
0xc: {  	s2 =	ssub.s32 s2, s29;
	s30 =	sadd.s32 s1, s8;
	(pc) =	sbr.rel .LBB2_1-.Ltmp0, $4  }
0xd: {  	s0 =	sadd.s32 s7, s0;
	s31 =	smax.u32 s2, $0x1;
	[dreg:$0x6] =	wrdreg s30  }
0xe: {  	v2 =	vlaneseq.u32;
	s10 =	sadd.s32 $0x200, s3;
	s0 =	sadd.s32 $0x400, s0;
	[dreg:$0x8] =	wrdreg s31  }
0xf: {  	vm0 =	vmmov $0xffff;
	s11 =	sadd.s32 $0x300, s3;
	v1 =	vshrl.u32 v2, $0x3;
	[dreg:$0x5] =	wrdreg s0;
	s0 =	sadd.s32 $0x800, s30  }
0x10: {  	s13 =	sadd.s32 $0x400, s4;
	v0 =	vand.u32 $0x7, v2;
	v2 =	vor.u32 $0x8, v2;
	v1 =	vmul.u32 $0x8, v1;
	s7 =	simm.s32 $0x0;
	[dreg:$0x7] =	wrdreg s0  }
.LBB2_12:
0x11: {  	s0 =	simm.s32 $0x5  }
0x12: {  	_ =	swait.ge [sflag:s0], $0x4000  }
0x13: {  	[sflag:s0] =	ssyncset.done $0x0  }
0x14: {  	s2 =	simm.s32 $0x6;
	[sflag:s0] =	ssyncadd.s32 $0xFFFFC000  }
0x15: {  	_ =	swait.ge [sflag:s2], $0x4000  }
0x16: {  	s7 =	rddreg [dreg:$0x9]  }
0x17: {  	s31 =	rddreg [dreg:$0x8];
	s7 =	sadd.s32 $0x1, s7  }
0x18: {  	p0 =	sne.s32 s7, s31  }
.Ltmp1:
0x19: {  	_ = 	snop;
	(pc) =	sbr.rel @!p0 .LBB2_13-.Ltmp1, $3  }
0x1a: {  	_ =	sdelay $0x1  }
0x1b: {  	[sflag:s2] =	ssyncset.done $0x0  }
0x1c: {  	[sflag:s2] =	ssyncadd.s32 $0xFFFFC000  }
.LBB2_1:
0x1d: {  	[dreg:$0x9] =	wrdreg s7  }
0x1e: {  	s0 =	rddreg [dreg:$0x5];
	s25 =	simm.s32 $0x7  }
0x1f: {  	[tilespmem:s5], [sflag:$0x7] =	stream.linear.gather [hbm4b:s0+s5], $0x400, $0x38;
	[tilespmem:$0x18400] =	vst v63  }
0x20: {  	_ =	swait.ge [sflag:s25], $0x400  }
0x21: {  	[sflag:s25] =	ssyncset.done $0x0  }
0x22: {  	s2 =	simm.s32 $0x400;
	s26 =	rddreg [dreg:$0x6];
	[sflag:s25] =	ssyncadd.s32 $0xFFFFFC00  }
0x23: {  	[tilespmem:s2], [sflag:$0x1] =	stream.linear.gather [hbm4b:s26+s5], $0x4000, $0x38;
	[tilespmem:$0x18400] =	vst v63  }
0x24: {  	v3 =	vld [tilespmem:$0x0];
	_ =	sdelay $0x4  }
0x25: {  	v4 =	vshll.u32 v3, $0x3  }
0x26: {  	v3 =	vand.u32 $0x7, v3;
	v4 =	vand.u32 $0xFFFFFFC0, v4  }
0x27: {  	v3 =	vor.u32 v3, v4  }
0x28: {  	v4 =	vperm.xlane v3, v0;
	_ =	sdelay $0x1  }
0x29: {  	v4 =	vadd.s32 v1, v4;
	_ =	sdelay $0x3  }
0x2a: {  	s28 =	simm.s32 $0x8400  }
0x2b: {  	[tilespmem:s28], [sflag:$0x3] =	stream.indirect_vreg.gather [hbm4b:s3+s5], $0x80, v4, vm0, $0xb8;
	[tilespmem:$0x18400] =	vst v63  }
0x2c: {  	s29 =	simm.s32 $0x8C00;
	v3 =	vperm.xlane v3, v2  }
0x2d: {  	[tilespmem:s29], [sflag:$0x3] =	stream.indirect_vreg.gather [hbm4b:s9+s5], $0x80, v4, vm0, $0xb8;
	[tilespmem:$0x18400] =	vst v63  }
0x2e: {  	s30 =	simm.s32 $0x9400;
	v3 =	vadd.s32 v1, v3  }
0x2f: {  	[tilespmem:s30], [sflag:$0x3] =	stream.indirect_vreg.gather [hbm4b:s10+s5], $0x80, v4, vm0, $0xb8;
	[tilespmem:$0x18400] =	vst v63  }
0x30: {  	s31 =	simm.s32 $0x9C00  }
0x31: {  	[tilespmem:s31], [sflag:$0x3] =	stream.indirect_vreg.gather [hbm4b:s11+s5], $0x80, v4, vm0, $0xb8;
	[tilespmem:$0x18400] =	vst v63  }
0x32: {  	s2 =	simm.s32 $0xA400  }
0x33: {  	[tilespmem:s2], [sflag:$0x3] =	stream.indirect_vreg.gather [hbm4b:s3+s5], $0x80, v3, vm0, $0xb8;
	[tilespmem:$0x18400] =	vst v63  }
0x34: {  	s7 =	simm.s32 $0xAC00  }
0x35: {  	[tilespmem:s7], [sflag:$0x3] =	stream.indirect_vreg.gather [hbm4b:s9+s5], $0x80, v3, vm0, $0xb8;
	[tilespmem:$0x18400] =	vst v63  }
0x36: {  	s8 =	simm.s32 $0xB400  }
0x37: {  	[tilespmem:s8], [sflag:$0x3] =	stream.indirect_vreg.gather [hbm4b:s10+s5], $0x80, v3, vm0, $0xb8;
	[tilespmem:$0x18400] =	vst v63  }
0x38: {  	s12 =	simm.s32 $0xBC00  }
0x39: {  	[tilespmem:s12], [sflag:$0x3] =	stream.indirect_vreg.gather [hbm4b:s11+s5], $0x80, v3, vm0, $0xb8;
	[tilespmem:$0x18400] =	vst v63  }
0x3a: {  	s15 =	simm.s32 $0x4400;
	s14 =	rddreg [dreg:$0x7]  }
0x3b: {  	[tilespmem:s15], [sflag:$0x2] =	stream.linear.gather [hbm4b:s14+s5], $0x4000, $0x38;
	[tilespmem:$0x18400] =	vst v63  }
0x3c: {  	v3 =	vld [tilespmem:$0x10];
	_ =	sdelay $0x4  }
0x3d: {  	v63 =	vshll.u32 v3, $0x3  }
0x3e: {  	v3 =	vand.u32 $0x7, v3;
	v4 =	vand.u32 $0xFFFFFFC0, v63  }
0x3f: {  	v3 =	vor.u32 v3, v4  }
0x40: {  	v4 =	vperm.xlane v3, v0;
	_ =	sdelay $0x1  }
0x41: {  	v4 =	vadd.s32 v1, v4;
	_ =	sdelay $0x3  }
0x42: {  	s16 =	simm.s32 $0xC400  }
0x43: {  	[tilespmem:s16], [sflag:$0x4] =	stream.indirect_vreg.gather [hbm4b:s3+s5], $0x80, v4, vm0, $0xb8;
	[tilespmem:$0x18400] =	vst v63  }
0x44: {  	s19 =	simm.s32 $0xCC00;
	v3 =	vperm.xlane v3, v2  }
0x45: {  	[tilespmem:s19], [sflag:$0x4] =	stream.indirect_vreg.gather [hbm4b:s9+s5], $0x80, v4, vm0, $0xb8;
	[tilespmem:$0x18400] =	vst v63  }
0x46: {  	s25 =	simm.s32 $0xD400;
	v3 =	vadd.s32 v1, v3  }
0x47: {  	[tilespmem:s25], [sflag:$0x4] =	stream.indirect_vreg.gather [hbm4b:s10+s5], $0x80, v4, vm0, $0xb8;
	[tilespmem:$0x18400] =	vst v63  }
0x48: {  	s26 =	simm.s32 $0xDC00  }
0x49: {  	[tilespmem:s26], [sflag:$0x4] =	stream.indirect_vreg.gather [hbm4b:s11+s5], $0x80, v4, vm0, $0xb8;
	[tilespmem:$0x18400] =	vst v63  }
0x4a: {  	s28 =	simm.s32 $0xE400  }
0x4b: {  	[tilespmem:s28], [sflag:$0x4] =	stream.indirect_vreg.gather [hbm4b:s3+s5], $0x80, v3, vm0, $0xb8;
	[tilespmem:$0x18400] =	vst v63  }
0x4c: {  	s29 =	simm.s32 $0xEC00  }
0x4d: {  	[tilespmem:s29], [sflag:$0x4] =	stream.indirect_vreg.gather [hbm4b:s9+s5], $0x80, v3, vm0, $0xb8;
	[tilespmem:$0x18400] =	vst v63  }
0x4e: {  	s30 =	simm.s32 $0xF400  }
0x4f: {  	[tilespmem:s30], [sflag:$0x4] =	stream.indirect_vreg.gather [hbm4b:s10+s5], $0x80, v3, vm0, $0xb8;
	[tilespmem:$0x18400] =	vst v63  }
0x50: {  	s31 =	simm.s32 $0xFC00;
	s8 =	simm.s32 $0x0  }
0x51: {  	[tilespmem:s31], [sflag:$0x4] =	stream.indirect_vreg.gather [hbm4b:s11+s5], $0x80, v3, vm0, $0xb8;
	[tilespmem:$0x18400] =	vst v63  }
.LBB2_2:
0x52: {  	_ =	swait.ge [sflag:s17], $0x4000  }
0x53: {  	[sflag:s17] =	ssyncset.done $0x0  }
0x54: {  	[sflag:s17] =	ssyncadd.s32 $0xFFFFC000  }
0x55: {  	_ =	swait.ge [sflag:s18], $0x4000  }
0x56: {  	p0 =	seq.s32 s8, $0x0;
	s7 =	simm.s32 $0x0;
	[sflag:s18] =	ssyncset.done $0x0  }
0x57: {  	s12 =	simm.s32 @!p0 $0x5;
	s14 =	sand.u32 $0x3, s7;
	[sflag:s18] =	ssyncadd.s32 $0xFFFFC000  }
0x58: {  	s14 =	sshll.u32 s14, $0xB;
	_ =	swait.ge @!p0 [sflag:s12], $0x4000  }
0x59: {  	s14 =	sadd.s32 $0x0, s14;
	[sflag:s12] =	ssyncset.done @!p0 $0x0  }
0x5a: {  	s15 =	sor.u32 $0x470, s14;
	[sflag:s12] =	ssyncadd.s32 @!p0 $0xFFFFC000  }
0x5b: {  	s25 =	sor.u32 $0x60, s14;
	v3 =	vld [tilespmem:s15+$0x400]  }
0x5c: {  	v4 =	vld [tilespmem:s25+$0x400]  }
0x5d: {  	s26 =	sor.u32 $0x70, s14;
	v5 =	vld [tilespmem:s15+$0x8400]  }
0x5e: {  	s31 =	sand.u32 $0x1800, s7;
	s28 =	sand.u32 $0x380, s7;
	s29 =	sor.u32 $0x460, s14;
	v6 =	vld [tilespmem:s26+$0x400]  }
0x5f: {  	s12 =	sor.u32 s28, s31;
	v7 =	vld [tilespmem:s29+$0x400]  }
0x60: {  	v8 =	vld [tilespmem:s12+$0x400]  }
0x61: {  	v9 =	vld [tilespmem:s12+$0x410]  }
0x62: {  	v10 =	vld [tilespmem:s12+$0x420]  }
0x63: {  	v11 =	vld [tilespmem:s12+$0x430]  }
0x64: {  	v12 =	vld [tilespmem:s12+$0x440]  }
0x65: {  	v13 =	vld [tilespmem:s12+$0x450]  }
0x66: {  	v14 =	vld [tilespmem:s12+$0x800]  }
0x67: {  	v15 =	vld [tilespmem:s12+$0x810]  }
0x68: {  	v17 =	vld [tilespmem:s12+$0x820]  }
0x69: {  	v18 =	vld [tilespmem:s12+$0x830]  }
0x6a: {  	v19 =	vld [tilespmem:s12+$0x840]  }
0x6b: {  	v20 =	vld [tilespmem:s12+$0x850]  }
0x6c: {  	v16 =	vld [tilespmem:s25+$0x8400]  }
0x6d: {  	v21 =	vld [tilespmem:s26+$0x8400]  }
0x6e: {  	v23 =	vld [tilespmem:s12+$0x8400];
	v3 =	vmul.f32 $3.200000000e+01, v3  }
0x6f: {  	v22 =	vld [tilespmem:s29+$0x8400];
	v4 =	vmul.f32 $3.200000000e+01, v4  }
0x70: {  	v25 =	vld [tilespmem:s12+$0x8410];
	v6 =	vmul.f32 $3.200000000e+01, v6;
	v24 =	vmul.f32 $3.200000000e+01, v8;
	v3 =	vadd.f32 v5, v3  }
0x71: {  	v28 =	vld [tilespmem:s12+$0x8420];
	v26 =	vmul.f32 $3.200000000e+01, v9;
	v27 =	vmul.f32 $3.200000000e+01, v10;
	v4 =	vadd.f32 v16, v4  }
0x72: {  	v11 =	vmul.f32 $3.200000000e+01, v11;
	v5 =	vmul.f32 $3.200000000e+01, v7;
	v16 =	vld [tilespmem:s12+$0x8430];
	v6 =	vadd.f32 v21, v6;
	[tilespmem:s15+$0x10400] =	vst v3  }
0x73: {  	v10 =	vmul.f32 $3.200000000e+01, v12;
	v12 =	vld [tilespmem:s12+$0x8440];
	v7 =	vmul.f32 $3.200000000e+01, v15;
	v15 =	vadd.f32 v23, v24;
	[tilespmem:s25+$0x10400] =	vst v4  }
0x74: {  	v9 =	vmul.f32 $3.200000000e+01, v13;
	v8 =	vmul.f32 $3.200000000e+01, v14;
	v14 =	vld [tilespmem:s12+$0x8450];
	v63 =	vadd.f32 v22, v5;
	[tilespmem:s26+$0x10400] =	vst v6  }
0x75: {  	s28 =	simm.s32 $0x0;
	v13 =	vld [tilespmem:s12+$0x8800];
	s15 =	sshll.u32 s8, $0x5;
	v3 =	vmul.f32 $3.200000000e+01, v17;
	v5 =	vmul.f32 $3.200000000e+01, v18;
	v18 =	vadd.f32 v25, v26;
	[tilespmem:s12+$0x10400] =	vst v15  }
0x76: {  	v4 =	vmul.f32 $3.200000000e+01, v19;
	s25 =	simm.s32 $0x0;
	v6 =	vmul.f32 $3.200000000e+01, v20;
	v17 =	vadd.f32 v28, v27;
	v15 =	vld [tilespmem:s12+$0x8810];
	s26 =	simm.s32 $0x1;
	s14 =	sor.u32 s6, s15;
	[tilespmem:s29+$0x10400] =	vst v63  }
.LBB2_3:
0x77: {  	s29 =	sand.u32 $0x3, s26;
	s25 =	sadd.s32 $0x10, s25;
	[tilespmem:s12+$0x10410] =	vst v18;
	v11 =	vadd.f32 v16, v11;
	v16 =	vld [tilespmem:s12+$0x8820];
	s7 =	sadd.s32 $0x800, s7  }
0x78: {  	s28 =	sadd.s32 $0x20, s28;
	s29 =	sshll.u32 s29, $0xB;
	p1 =	slt.u32 s25, $0x1F0;
	[tilespmem:s12+$0x10420] =	vst v17;
	v10 =	vadd.f32 v12, v10;
	v12 =	vld [tilespmem:s12+$0x8830]  }
0x79: {  	s0 =	sand.u32 $0x1800, s7;
	s2 =	sand.u32 $0x380, s28;
	s30 =	sadd.s32 s29, s28;
	[tilespmem:s12+$0x10430] =	vst v11;
	v9 =	vadd.f32 v14, v9;
	v11 =	vld [tilespmem:s12+$0x8840]  }
0x7a: {  	s31 =	sor.u32 $0x60, s30;
	s29 =	sor.u32 $0x70, s30;
	s16 =	sor.u32 $0x470, s30;
	[tilespmem:s12+$0x10440] =	vst v10;
	v8 =	vadd.f32 v13, v8;
	v10 =	vld [tilespmem:s12+$0x8850]  }
0x7b: {  	s0 =	sor.u32 s2, s0;
	s30 =	sor.u32 $0x460, s30;
	v13 =	vld [tilespmem:s16+$0x400];
	[tilespmem:s12+$0x10450] =	vst v9;
	v7 =	vadd.f32 v15, v7  }
0x7c: {  	v9 =	vld [tilespmem:s31+$0x400];
	[tilespmem:s12+$0x10800] =	vst v8;
	v3 =	vadd.f32 v16, v3  }
0x7d: {  	v8 =	vld [tilespmem:s16+$0x8400];
	[tilespmem:s12+$0x10810] =	vst v7;
	v5 =	vadd.f32 v12, v5  }
0x7e: {  	v7 =	vld [tilespmem:s29+$0x400];
	[tilespmem:s12+$0x10820] =	vst v3;
	v3 =	vadd.f32 v11, v4  }
0x7f: {  	v4 =	vld [tilespmem:s30+$0x400];
	[tilespmem:s12+$0x10830] =	vst v5;
	v5 =	vadd.f32 v10, v6  }
0x80: {  	v6 =	vld [tilespmem:s0+$0x400];
	v10 =	vmul.f32 $3.200000000e+01, v13;
	[tilespmem:s12+$0x10840] =	vst v3  }
0x81: {  	v3 =	vld [tilespmem:s0+$0x410];
	v12 =	vmul.f32 $3.200000000e+01, v9;
	[tilespmem:s12+$0x10850] =	vst v5;
	s12 =	smov.u32 s0  }
0x82: {  	v5 =	vld [tilespmem:s12+$0x420];
	v8 =	vadd.f32 v8, v10  }
0x83: {  	v9 =	vld [tilespmem:s12+$0x430];
	v13 =	vmul.f32 $3.200000000e+01, v7  }
0x84: {  	v7 =	vld [tilespmem:s12+$0x440];
	v14 =	vmul.f32 $3.200000000e+01, v4;
	[tilespmem:s16+$0x10400] =	vst v8  }
0x85: {  	v15 =	vmul.f32 $3.200000000e+01, v6;
	v4 =	vld [tilespmem:s12+$0x450]  }
0x86: {  	v17 =	vmul.f32 $3.200000000e+01, v3;
	v3 =	vld [tilespmem:s12+$0x800]  }
0x87: {  	v19 =	vmul.f32 $3.200000000e+01, v5;
	v5 =	vld [tilespmem:s12+$0x810]  }
0x88: {  	v11 =	vmul.f32 $3.200000000e+01, v9;
	v6 =	vld [tilespmem:s12+$0x820]  }
0x89: {  	v10 =	vmul.f32 $3.200000000e+01, v7;
	v16 =	vld [tilespmem:s12+$0x830]  }
0x8a: {  	v9 =	vmul.f32 $3.200000000e+01, v4;
	v4 =	vld [tilespmem:s12+$0x840]  }
0x8b: {  	v8 =	vmul.f32 $3.200000000e+01, v3;
	v18 =	vld [tilespmem:s12+$0x850]  }
0x8c: {  	v20 =	vld [tilespmem:s31+$0x8400];
	v7 =	vmul.f32 $3.200000000e+01, v5  }
0x8d: {  	v21 =	vld [tilespmem:s29+$0x8400];
	v3 =	vmul.f32 $3.200000000e+01, v6  }
0x8e: {  	v5 =	vmul.f32 $3.200000000e+01, v16;
	v22 =	vld [tilespmem:s30+$0x8400]  }
0x8f: {  	v23 =	vld [tilespmem:s12+$0x8400];
	v4 =	vmul.f32 $3.200000000e+01, v4  }
0x90: {  	v24 =	vld [tilespmem:s12+$0x8410];
	v6 =	vmul.f32 $3.200000000e+01, v18  }
0x91: {  	v25 =	vld [tilespmem:s12+$0x8420];
	v18 =	vadd.f32 v20, v12  }
.Ltmp2:
0x92: {  	v16 =	vld [tilespmem:s12+$0x8430];
	v13 =	vadd.f32 v21, v13;
	(pc) =	sbr.rel @p1 .LBB2_3-.Ltmp2, $4  }
0x93: {  	v12 =	vld [tilespmem:s12+$0x8440];
	[tilespmem:s31+$0x10400] =	vst v18;
	v20 =	vadd.f32 v22, v14  }
0x94: {  	v15 =	vadd.f32 v23, v15;
	v14 =	vld [tilespmem:s12+$0x8450];
	[tilespmem:s29+$0x10400] =	vst v13  }
0x95: {  	v18 =	vadd.f32 v24, v17;
	v13 =	vld [tilespmem:s12+$0x8800];
	[tilespmem:s30+$0x10400] =	vst v20  }
0x96: {  	s26 =	sadd.s32 $0x1, s26;
	[tilespmem:s12+$0x10400] =	vst v15;
	v17 =	vadd.f32 v25, v19;
	v15 =	vld [tilespmem:s12+$0x8810]  }
0x97: {  	[tilespmem:s12+$0x10410] =	vst v18;
	v11 =	vadd.f32 v16, v11;
	v16 =	vld [tilespmem:s12+$0x8820]  }
0x98: {  	[tilespmem:s12+$0x10420] =	vst v17;
	v10 =	vadd.f32 v12, v10;
	v12 =	vld [tilespmem:s12+$0x8830]  }
0x99: {  	[tilespmem:s12+$0x10430] =	vst v11;
	v9 =	vadd.f32 v14, v9;
	v11 =	vld [tilespmem:s12+$0x8840]  }
0x9a: {  	[tilespmem:s12+$0x10440] =	vst v10;
	v8 =	vadd.f32 v13, v8;
	v10 =	vld [tilespmem:s12+$0x8850]  }
0x9b: {  	[tilespmem:s12+$0x10450] =	vst v9;
	v7 =	vadd.f32 v15, v7  }
0x9c: {  	[tilespmem:s12+$0x10800] =	vst v8;
	v3 =	vadd.f32 v16, v3  }
0x9d: {  	[tilespmem:s12+$0x10810] =	vst v7;
	v5 =	vadd.f32 v12, v5  }
0x9e: {  	[tilespmem:s12+$0x10820] =	vst v3;
	v3 =	vadd.f32 v11, v4  }
0x9f: {  	[tilespmem:s12+$0x10830] =	vst v5;
	v4 =	vadd.f32 v10, v6  }
0xa0: {  	s7 =	sshll.u32 s14, $0x7;
	s2 =	simm.s32 $0x10400;
	[tilespmem:s12+$0x10840] =	vst v3  }
0xa1: {  	s14 =	simm.s32 $0x10000;
	s28 =	simm.s32 $0x2000;
	s0 =	sadd.s32 s4, s7;
	[tilespmem:s12+$0x10850] =	vst v4  }
0xa2: {  	[hbm4b:s0+s5] =	stream.linear.scatter [tilespmem:s2], [sflag:$0x5], $0x2000, $0x38;
	[tilespmem:$0x18400] =	vst v63  }
0xa3: {  	s30 =	simm.s32 $0x400;
	s29 =	sand.u32 $0x1800, s14;
	s0 =	sand.u32 $0x2000, s28  }
0xa4: {  	s31 =	sand.u32 $0x380, s30;
	s0 =	sor.u32 s29, s0  }
0xa5: {  	s12 =	sor.u32 s31, s0  }
0xa6: {  	v3 =	vld [tilespmem:s12+$0x870]  }
0xa7: {  	v4 =	vld [tilespmem:s12+$0x400]  }
0xa8: {  	v5 =	vld [tilespmem:s12+$0x8870]  }
0xa9: {  	v6 =	vld [tilespmem:s12+$0x410]  }
0xaa: {  	v7 =	vld [tilespmem:s12+$0x420]  }
0xab: {  	v8 =	vld [tilespmem:s12+$0x430]  }
0xac: {  	v9 =	vld [tilespmem:s12+$0x440]  }
0xad: {  	v10 =	vld [tilespmem:s12+$0x450]  }
0xae: {  	v11 =	vld [tilespmem:s12+$0x460]  }
0xaf: {  	v13 =	vld [tilespmem:s12+$0x470]  }
0xb0: {  	v14 =	vld [tilespmem:s12+$0x800]  }
0xb1: {  	v15 =	vld [tilespmem:s12+$0x810]  }
0xb2: {  	v18 =	vld [tilespmem:s12+$0x820]  }
0xb3: {  	v19 =	vld [tilespmem:s12+$0x830]  }
0xb4: {  	v20 =	vld [tilespmem:s12+$0x840]  }
0xb5: {  	v21 =	vld [tilespmem:s12+$0x850]  }
0xb6: {  	v22 =	vld [tilespmem:s12+$0x860]  }
0xb7: {  	v16 =	vld [tilespmem:s12+$0x8400]  }
0xb8: {  	v23 =	vld [tilespmem:s12+$0x8410]  }
0xb9: {  	v24 =	vld [tilespmem:s12+$0x8420];
	v3 =	vmul.f32 $3.200000000e+01, v3;
	v4 =	vmul.f32 $3.200000000e+01, v4  }
0xba: {  	v27 =	vld [tilespmem:s12+$0x8430];
	v6 =	vmul.f32 $3.200000000e+01, v6;
	v25 =	vmul.f32 $3.200000000e+01, v7  }
0xbb: {  	v29 =	vld [tilespmem:s12+$0x8440];
	v26 =	vmul.f32 $3.200000000e+01, v8;
	v28 =	vmul.f32 $3.200000000e+01, v9;
	v3 =	vadd.f32 v5, v3  }
0xbc: {  	v17 =	vld [tilespmem:s12+$0x8450];
	v12 =	vmul.f32 $3.200000000e+01, v10;
	v11 =	vmul.f32 $3.200000000e+01, v11;
	v5 =	vadd.f32 v16, v4  }
0xbd: {  	v10 =	vmul.f32 $3.200000000e+01, v13;
	v9 =	vmul.f32 $3.200000000e+01, v14;
	v13 =	vadd.f32 v23, v6;
	v16 =	vld [tilespmem:s12+$0x8460];
	[tilespmem:s12+$0x10870] =	vst v3  }
0xbe: {  	v8 =	vmul.f32 $3.200000000e+01, v15;
	v7 =	vmul.f32 $3.200000000e+01, v18;
	v14 =	vld [tilespmem:s12+$0x8470];
	v15 =	vadd.f32 v24, v25;
	[tilespmem:s12+$0x10400] =	vst v5  }
0xbf: {  	v4 =	vmul.f32 $3.200000000e+01, v19;
	v6 =	vmul.f32 $3.200000000e+01, v20;
	v19 =	vadd.f32 v27, v26;
	[tilespmem:s12+$0x10410] =	vst v13;
	v13 =	vld [tilespmem:s12+$0x8800]  }
0xc0: {  	s25 =	simm.s32 $0x200;
	v18 =	vadd.f32 v29, v28;
	v3 =	vmul.f32 $3.200000000e+01, v21;
	v5 =	vmul.f32 $3.200000000e+01, v22;
	[tilespmem:s12+$0x10420] =	vst v15;
	v15 =	vld [tilespmem:s12+$0x8810]  }
.LBB2_5:
0xc1: {  	s25 =	sadd.s32 $0x10, s25;
	[tilespmem:s12+$0x10430] =	vst v19;
	v12 =	vadd.f32 v17, v12;
	v17 =	vld [tilespmem:s12+$0x8820]  }
0xc2: {  	s14 =	sadd.s32 $0x800, s14;
	s0 =	sshll.u32 s25, $0x4;
	p1 =	slt.u32 s25, $0x3F0;
	[tilespmem:s12+$0x10440] =	vst v18;
	v11 =	vadd.f32 v16, v11;
	v16 =	vld [tilespmem:s12+$0x8830]  }
0xc3: {  	s2 =	sand.u32 $0x1800, s14;
	s16 =	sshll.u32 s25, $0x1;
	s0 =	sand.u32 $0x2000, s0;
	[tilespmem:s12+$0x10450] =	vst v12;
	v10 =	vadd.f32 v14, v10;
	v12 =	vld [tilespmem:s12+$0x8840]  }
0xc4: {  	s0 =	sor.u32 s2, s0;
	s2 =	sand.u32 $0x380, s16;
	[tilespmem:s12+$0x10460] =	vst v11;
	v9 =	vadd.f32 v13, v9;
	v11 =	vld [tilespmem:s12+$0x8850]  }
0xc5: {  	s0 =	sor.u32 s2, s0;
	[tilespmem:s12+$0x10470] =	vst v10;
	v8 =	vadd.f32 v15, v8;
	v10 =	vld [tilespmem:s12+$0x8860]  }
0xc6: {  	v13 =	vld [tilespmem:s0+$0x870];
	[tilespmem:s12+$0x10800] =	vst v9;
	v7 =	vadd.f32 v17, v7  }
0xc7: {  	v9 =	vld [tilespmem:s0+$0x400];
	[tilespmem:s12+$0x10810] =	vst v8;
	v4 =	vadd.f32 v16, v4  }
0xc8: {  	v8 =	vld [tilespmem:s0+$0x8870];
	[tilespmem:s12+$0x10820] =	vst v7;
	v6 =	vadd.f32 v12, v6  }
0xc9: {  	v7 =	vld [tilespmem:s0+$0x410];
	[tilespmem:s12+$0x10830] =	vst v4;
	v3 =	vadd.f32 v11, v3  }
0xca: {  	v4 =	vld [tilespmem:s0+$0x420];
	[tilespmem:s12+$0x10840] =	vst v6;
	v5 =	vadd.f32 v10, v5  }
0xcb: {  	v6 =	vld [tilespmem:s0+$0x430];
	v10 =	vmul.f32 $3.200000000e+01, v13;
	[tilespmem:s12+$0x10850] =	vst v3  }
0xcc: {  	v13 =	vmul.f32 $3.200000000e+01, v9;
	v3 =	vld [tilespmem:s0+$0x440];
	[tilespmem:s12+$0x10860] =	vst v5;
	s12 =	smov.u32 s0  }
0xcd: {  	v5 =	vld [tilespmem:s12+$0x450];
	v8 =	vadd.f32 v8, v10  }
0xce: {  	v14 =	vmul.f32 $3.200000000e+01, v7;
	v7 =	vld [tilespmem:s12+$0x460]  }
0xcf: {  	v15 =	vmul.f32 $3.200000000e+01, v4;
	v4 =	vld [tilespmem:s12+$0x470];
	[tilespmem:s12+$0x10870] =	vst v8  }
0xd0: {  	v18 =	vmul.f32 $3.200000000e+01, v6;
	v6 =	vld [tilespmem:s12+$0x800]  }
0xd1: {  	v20 =	vmul.f32 $3.200000000e+01, v3;
	v3 =	vld [tilespmem:s12+$0x810]  }
0xd2: {  	v12 =	vmul.f32 $3.200000000e+01, v5;
	v5 =	vld [tilespmem:s12+$0x820]  }
0xd3: {  	v11 =	vmul.f32 $3.200000000e+01, v7;
	v16 =	vld [tilespmem:s12+$0x830]  }
0xd4: {  	v10 =	vmul.f32 $3.200000000e+01, v4;
	v17 =	vld [tilespmem:s12+$0x840]  }
0xd5: {  	v9 =	vmul.f32 $3.200000000e+01, v6;
	v19 =	vld [tilespmem:s12+$0x850]  }
0xd6: {  	v8 =	vmul.f32 $3.200000000e+01, v3;
	v21 =	vld [tilespmem:s12+$0x860]  }
0xd7: {  	v22 =	vld [tilespmem:s12+$0x8400];
	v7 =	vmul.f32 $3.200000000e+01, v5  }
0xd8: {  	v23 =	vld [tilespmem:s12+$0x8410];
	v4 =	vmul.f32 $3.200000000e+01, v16  }
0xd9: {  	v24 =	vld [tilespmem:s12+$0x8420];
	v6 =	vmul.f32 $3.200000000e+01, v17  }
0xda: {  	v25 =	vld [tilespmem:s12+$0x8430];
	v3 =	vmul.f32 $3.200000000e+01, v19  }
0xdb: {  	v26 =	vld [tilespmem:s12+$0x8440];
	v5 =	vmul.f32 $3.200000000e+01, v21  }
.Ltmp3:
0xdc: {  	v13 =	vadd.f32 v22, v13;
	v17 =	vld [tilespmem:s12+$0x8450];
	(pc) =	sbr.rel @p1 .LBB2_5-.Ltmp3, $4  }
0xdd: {  	v19 =	vadd.f32 v23, v14;
	v16 =	vld [tilespmem:s12+$0x8460]  }
0xde: {  	[tilespmem:s12+$0x10400] =	vst v13;
	v15 =	vadd.f32 v24, v15;
	v14 =	vld [tilespmem:s12+$0x8470]  }
0xdf: {  	[tilespmem:s12+$0x10410] =	vst v19;
	v19 =	vadd.f32 v25, v18;
	v13 =	vld [tilespmem:s12+$0x8800]  }
0xe0: {  	[tilespmem:s12+$0x10420] =	vst v15;
	v18 =	vadd.f32 v26, v20;
	v15 =	vld [tilespmem:s12+$0x8810]  }
0xe1: {  	[tilespmem:s12+$0x10430] =	vst v19;
	v12 =	vadd.f32 v17, v12;
	v17 =	vld [tilespmem:s12+$0x8820]  }
0xe2: {  	[tilespmem:s12+$0x10440] =	vst v18;
	v11 =	vadd.f32 v16, v11;
	v16 =	vld [tilespmem:s12+$0x8830]  }
0xe3: {  	[tilespmem:s12+$0x10450] =	vst v12;
	v10 =	vadd.f32 v14, v10;
	v12 =	vld [tilespmem:s12+$0x8840]  }
0xe4: {  	[tilespmem:s12+$0x10460] =	vst v11;
	v9 =	vadd.f32 v13, v9;
	v11 =	vld [tilespmem:s12+$0x8850]  }
0xe5: {  	[tilespmem:s12+$0x10470] =	vst v10;
	v8 =	vadd.f32 v15, v8;
	v10 =	vld [tilespmem:s12+$0x8860]  }
0xe6: {  	[tilespmem:s12+$0x10800] =	vst v9;
	v7 =	vadd.f32 v17, v7  }
0xe7: {  	[tilespmem:s12+$0x10810] =	vst v8;
	v4 =	vadd.f32 v16, v4  }
0xe8: {  	[tilespmem:s12+$0x10820] =	vst v7;
	v6 =	vadd.f32 v12, v6  }
0xe9: {  	[tilespmem:s12+$0x10830] =	vst v4;
	v3 =	vadd.f32 v11, v3  }
0xea: {  	[tilespmem:s12+$0x10840] =	vst v6;
	v4 =	vadd.f32 v10, v5  }
0xeb: {  	[tilespmem:s12+$0x10850] =	vst v3  }
0xec: {  	s0 =	sadd.s32 s7, s13;
	p1 =	seq.s32 s8, $0x1F;
	[tilespmem:s12+$0x10860] =	vst v4  }
0xed: {  	[hbm4b:s0+s5] =	stream.linear.scatter [tilespmem:s20], [sflag:$0x5], $0x2000, $0x38;
	[tilespmem:$0x18400] =	vst v63  }
0xee: {  	s0 =	sadd.s32 @!p1 $0x20, s15  }
0xef: {  	s0 =	sadd.s32 @!p1 s6, s0  }
0xf0: {  	s0 =	sshll.u32 @!p1 s0, $0x7  }
0xf1: {  	s2 =	simm.s32 @!p1 $0x0;
	s12 =	simm.s32 @!p1 $0x400;
	s0 =	sadd.s32 @!p1 s1, s0  }
0xf2: {  	[tilespmem:s12], [sflag:$0x1] =	stream.linear.gather @!p1 [hbm4b:s0+s2], $0x4000, $0x38;
	[tilespmem:$0x18400] =	vst v63  }
0xf3: {  	v3 =	vld @!p1 [tilespmem:s15+$0x20];
	_ =	sdelay $0x4  }
0xf4: {  	v4 =	vshll.u32 @!p1 v3, $0x3  }
0xf5: {  	v5 =	vlaneseq.u32 @!p1;
	v3 =	vand.u32 @!p1 $0x7, v3;
	v4 =	vand.u32 @!p1 $0xFFFFFFC0, v4  }
0xf6: {  	v6 =	vshrl.u32 @!p1 v5, $0x3;
	v3 =	vor.u32 @!p1 v3, v4;
	v4 =	vand.u32 @!p1 $0x7, v5  }
0xf7: {  	v6 =	vmul.u32 @!p1 $0x8, v6;
	v4 =	vperm.xlane @!p1 v3, v4;
	_ =	sdelay $0x1  }
0xf8: {  	v4 =	vadd.s32 @!p1 v6, v4;
	_ =	sdelay $0x3  }
0xf9: {  	vm1 =	vmmov @!p1 $0xffff;
	s0 =	simm.s32 @!p1 $0x8400  }
0xfa: {  	v5 =	vor.u32 @!p1 $0x8, v5;
	[tilespmem:s0], [sflag:$0x3] =	stream.indirect_vreg.gather @!p1 [hbm4b:s3+s2], $0x80, v4, vm1, $0xb8;
	[tilespmem:$0x18400] =	vst v63  }
0xfb: {  	v3 =	vperm.xlane @!p1 v3, v5;
	s0 =	simm.s32 @!p1 $0x8C00  }
0xfc: {  	[tilespmem:s0], [sflag:$0x3] =	stream.indirect_vreg.gather @!p1 [hbm4b:s9+s2], $0x80, v4, vm1, $0xb8;
	[tilespmem:$0x18400] =	vst v63  }
0xfd: {  	v3 =	vadd.s32 @!p1 v6, v3;
	s0 =	simm.s32 @!p1 $0x9400  }
0xfe: {  	[tilespmem:s0], [sflag:$0x3] =	stream.indirect_vreg.gather @!p1 [hbm4b:s10+s2], $0x80, v4, vm1, $0xb8;
	[tilespmem:$0x18400] =	vst v63  }
0xff: {  	s0 =	simm.s32 @!p1 $0x9C00  }
0x100: {  	[tilespmem:s0], [sflag:$0x3] =	stream.indirect_vreg.gather @!p1 [hbm4b:s11+s2], $0x80, v4, vm1, $0xb8;
	[tilespmem:$0x18400] =	vst v63  }
0x101: {  	s0 =	simm.s32 @!p1 $0xA400  }
0x102: {  	[tilespmem:s0], [sflag:$0x3] =	stream.indirect_vreg.gather @!p1 [hbm4b:s3+s2], $0x80, v3, vm1, $0xb8;
	[tilespmem:$0x18400] =	vst v63  }
0x103: {  	s0 =	simm.s32 @!p1 $0xAC00  }
0x104: {  	[tilespmem:s0], [sflag:$0x3] =	stream.indirect_vreg.gather @!p1 [hbm4b:s9+s2], $0x80, v3, vm1, $0xb8;
	[tilespmem:$0x18400] =	vst v63  }
0x105: {  	s0 =	simm.s32 @!p1 $0xB400  }
0x106: {  	[tilespmem:s0], [sflag:$0x3] =	stream.indirect_vreg.gather @!p1 [hbm4b:s10+s2], $0x80, v3, vm1, $0xb8;
	[tilespmem:$0x18400] =	vst v63  }
0x107: {  	s0 =	simm.s32 @!p1 $0xBC00  }
0x108: {  	[tilespmem:s0], [sflag:$0x3] =	stream.indirect_vreg.gather @!p1 [hbm4b:s11+s2], $0x80, v3, vm1, $0xb8;
	[tilespmem:$0x18400] =	vst v63  }
0x109: {  	_ =	swait.ge [sflag:s21], $0x4000  }
0x10a: {  	[sflag:s21] =	ssyncset.done $0x0  }
0x10b: {  	[sflag:s21] =	ssyncadd.s32 $0xFFFFC000  }
0x10c: {  	_ =	swait.ge [sflag:s22], $0x4000  }
0x10d: {  	s14 =	simm.s32 $0x0;
	[sflag:s22] =	ssyncset.done $0x0  }
0x10e: {  	s29 =	sand.u32 $0x3, s14;
	s0 =	simm.s32 @!p0 $0x6;
	[sflag:s22] =	ssyncadd.s32 $0xFFFFC000  }
0x10f: {  	s2 =	sshll.u32 s29, $0xB;
	_ =	swait.ge @!p0 [sflag:s0], $0x4000  }
0x110: {  	s2 =	sadd.s32 $0x0, s2;
	[sflag:s0] =	ssyncset.done @!p0 $0x0  }
0x111: {  	s30 =	sor.u32 $0x470, s2;
	[sflag:s0] =	ssyncadd.s32 @!p0 $0xFFFFC000  }
0x112: {  	s16 =	sor.u32 $0x60, s2;
	v3 =	vld [tilespmem:s30+$0x4400]  }
0x113: {  	v4 =	vld [tilespmem:s16+$0x4400]  }
0x114: {  	s25 =	sor.u32 $0x70, s2;
	v5 =	vld [tilespmem:s30+$0xC400]  }
0x115: {  	s31 =	sand.u32 $0x1800, s14;
	s26 =	sand.u32 $0x380, s14;
	s2 =	sor.u32 $0x460, s2;
	v6 =	vld [tilespmem:s25+$0x4400]  }
0x116: {  	s12 =	sor.u32 s26, s31;
	v7 =	vld [tilespmem:s2+$0x4400]  }
0x117: {  	v8 =	vld [tilespmem:s12+$0x4400]  }
0x118: {  	v9 =	vld [tilespmem:s12+$0x4410]  }
0x119: {  	v10 =	vld [tilespmem:s12+$0x4420]  }
0x11a: {  	v11 =	vld [tilespmem:s12+$0x4430]  }
0x11b: {  	v12 =	vld [tilespmem:s12+$0x4440]  }
0x11c: {  	v13 =	vld [tilespmem:s12+$0x4450]  }
0x11d: {  	v14 =	vld [tilespmem:s12+$0x4800]  }
0x11e: {  	v15 =	vld [tilespmem:s12+$0x4810]  }
0x11f: {  	v17 =	vld [tilespmem:s12+$0x4820]  }
0x120: {  	v18 =	vld [tilespmem:s12+$0x4830]  }
0x121: {  	v19 =	vld [tilespmem:s12+$0x4840]  }
0x122: {  	v20 =	vld [tilespmem:s12+$0x4850]  }
0x123: {  	v16 =	vld [tilespmem:s16+$0xC400]  }
0x124: {  	v23 =	vld [tilespmem:s12+$0xC400]  }
0x125: {  	v21 =	vld [tilespmem:s25+$0xC400];
	v3 =	vmul.f32 $3.200000000e+01, v3  }
0x126: {  	v22 =	vld [tilespmem:s2+$0xC400];
	v4 =	vmul.f32 $3.200000000e+01, v4  }
0x127: {  	v25 =	vld [tilespmem:s12+$0xC410];
	v6 =	vmul.f32 $3.200000000e+01, v6;
	v24 =	vmul.f32 $3.200000000e+01, v8;
	v3 =	vadd.f32 v5, v3  }
0x128: {  	v28 =	vld [tilespmem:s12+$0xC420];
	v26 =	vmul.f32 $3.200000000e+01, v9;
	v27 =	vmul.f32 $3.200000000e+01, v10;
	v4 =	vadd.f32 v16, v4  }
0x129: {  	v5 =	vmul.f32 $3.200000000e+01, v7;
	v16 =	vld [tilespmem:s12+$0xC430];
	v7 =	vmul.f32 $3.200000000e+01, v15;
	v15 =	vadd.f32 v23, v24;
	[tilespmem:s30+$0x14400] =	vst v3  }
0x12a: {  	v11 =	vmul.f32 $3.200000000e+01, v11;
	v9 =	vmul.f32 $3.200000000e+01, v13;
	v13 =	vld [tilespmem:s12+$0xC440];
	v3 =	vadd.f32 v21, v6;
	[tilespmem:s16+$0x14400] =	vst v4  }
0x12b: {  	v10 =	vmul.f32 $3.200000000e+01, v12;
	v8 =	vmul.f32 $3.200000000e+01, v14;
	v14 =	vld [tilespmem:s12+$0xC450];
	v6 =	vadd.f32 v22, v5;
	[tilespmem:s12+$0x14400] =	vst v15  }
0x12c: {  	v12 =	vld [tilespmem:s12+$0xC800];
	v4 =	vmul.f32 $3.200000000e+01, v17;
	v5 =	vmul.f32 $3.200000000e+01, v18;
	v18 =	vadd.f32 v25, v26;
	[tilespmem:s25+$0x14400] =	vst v3  }
0x12d: {  	s28 =	simm.s32 $0x0;
	s26 =	simm.s32 $0x1;
	v17 =	vadd.f32 v28, v27;
	v15 =	vld [tilespmem:s12+$0xC810];
	v3 =	vmul.f32 $3.200000000e+01, v19;
	[tilespmem:s2+$0x14400] =	vst v6;
	s25 =	simm.s32 $0x0;
	v6 =	vmul.f32 $3.200000000e+01, v20  }
.LBB2_7:
0x12e: {  	s0 =	sand.u32 $0x3, s26;
	s25 =	sadd.s32 $0x10, s25;
	[tilespmem:s12+$0x14410] =	vst v18;
	v11 =	vadd.f32 v16, v11;
	v16 =	vld [tilespmem:s12+$0xC820];
	s14 =	sadd.s32 $0x800, s14  }
0x12f: {  	s28 =	sadd.s32 $0x20, s28;
	s0 =	sshll.u32 s0, $0xB;
	p0 =	slt.u32 s25, $0x1F0;
	[tilespmem:s12+$0x14420] =	vst v17;
	v10 =	vadd.f32 v13, v10;
	v13 =	vld [tilespmem:s12+$0xC830]  }
0x130: {  	s2 =	sand.u32 $0x1800, s14;
	s16 =	sand.u32 $0x380, s28;
	s0 =	sadd.s32 s0, s28;
	[tilespmem:s12+$0x14430] =	vst v11;
	v9 =	vadd.f32 v14, v9;
	v11 =	vld [tilespmem:s12+$0xC840]  }
0x131: {  	s31 =	sor.u32 $0x60, s0;
	s29 =	sor.u32 $0x70, s0;
	s19 =	sor.u32 $0x470, s0;
	[tilespmem:s12+$0x14440] =	vst v10;
	v8 =	vadd.f32 v12, v8;
	v10 =	vld [tilespmem:s12+$0xC850]  }
0x132: {  	s2 =	sor.u32 s16, s2;
	s30 =	sor.u32 $0x460, s0;
	v12 =	vld [tilespmem:s19+$0x4400];
	[tilespmem:s12+$0x14450] =	vst v9;
	v7 =	vadd.f32 v15, v7  }
0x133: {  	v9 =	vld [tilespmem:s31+$0x4400];
	[tilespmem:s12+$0x14800] =	vst v8;
	v4 =	vadd.f32 v16, v4  }
0x134: {  	v8 =	vld [tilespmem:s19+$0xC400];
	[tilespmem:s12+$0x14810] =	vst v7;
	v5 =	vadd.f32 v13, v5  }
0x135: {  	v7 =	vld [tilespmem:s29+$0x4400];
	[tilespmem:s12+$0x14820] =	vst v4;
	v3 =	vadd.f32 v11, v3  }
0x136: {  	v4 =	vld [tilespmem:s30+$0x4400];
	[tilespmem:s12+$0x14830] =	vst v5;
	v5 =	vadd.f32 v10, v6  }
0x137: {  	v6 =	vld [tilespmem:s2+$0x4400];
	v10 =	vmul.f32 $3.200000000e+01, v12;
	[tilespmem:s12+$0x14840] =	vst v3  }
0x138: {  	v3 =	vld [tilespmem:s2+$0x4410];
	v12 =	vmul.f32 $3.200000000e+01, v9;
	[tilespmem:s12+$0x14850] =	vst v5;
	s12 =	smov.u32 s2  }
0x139: {  	v5 =	vld [tilespmem:s12+$0x4420];
	v8 =	vadd.f32 v8, v10  }
0x13a: {  	v9 =	vld [tilespmem:s12+$0x4430];
	v13 =	vmul.f32 $3.200000000e+01, v7  }
0x13b: {  	v7 =	vld [tilespmem:s12+$0x4440];
	v14 =	vmul.f32 $3.200000000e+01, v4;
	[tilespmem:s19+$0x14400] =	vst v8  }
0x13c: {  	v15 =	vmul.f32 $3.200000000e+01, v6;
	v4 =	vld [tilespmem:s12+$0x4450]  }
0x13d: {  	v17 =	vmul.f32 $3.200000000e+01, v3;
	v3 =	vld [tilespmem:s12+$0x4800]  }
0x13e: {  	v19 =	vmul.f32 $3.200000000e+01, v5;
	v5 =	vld [tilespmem:s12+$0x4810]  }
0x13f: {  	v11 =	vmul.f32 $3.200000000e+01, v9;
	v6 =	vld [tilespmem:s12+$0x4820]  }
0x140: {  	v10 =	vmul.f32 $3.200000000e+01, v7;
	v16 =	vld [tilespmem:s12+$0x4830]  }
0x141: {  	v9 =	vmul.f32 $3.200000000e+01, v4;
	v18 =	vld [tilespmem:s12+$0x4840]  }
0x142: {  	v8 =	vmul.f32 $3.200000000e+01, v3;
	v20 =	vld [tilespmem:s12+$0x4850]  }
0x143: {  	v21 =	vld [tilespmem:s31+$0xC400];
	v7 =	vmul.f32 $3.200000000e+01, v5  }
0x144: {  	v22 =	vld [tilespmem:s29+$0xC400];
	v4 =	vmul.f32 $3.200000000e+01, v6  }
0x145: {  	v5 =	vmul.f32 $3.200000000e+01, v16;
	v23 =	vld [tilespmem:s30+$0xC400]  }
0x146: {  	v24 =	vld [tilespmem:s12+$0xC400];
	v3 =	vmul.f32 $3.200000000e+01, v18  }
0x147: {  	v18 =	vld [tilespmem:s12+$0xC410];
	v6 =	vmul.f32 $3.200000000e+01, v20  }
0x148: {  	v20 =	vld [tilespmem:s12+$0xC420];
	v12 =	vadd.f32 v21, v12  }
.Ltmp4:
0x149: {  	v16 =	vld [tilespmem:s12+$0xC430];
	v21 =	vadd.f32 v22, v13;
	(pc) =	sbr.rel @p0 .LBB2_7-.Ltmp4, $4  }
0x14a: {  	v13 =	vld [tilespmem:s12+$0xC440];
	[tilespmem:s31+$0x14400] =	vst v12;
	v22 =	vadd.f32 v23, v14  }
0x14b: {  	v15 =	vadd.f32 v24, v15;
	v14 =	vld [tilespmem:s12+$0xC450];
	[tilespmem:s29+$0x14400] =	vst v21  }
0x14c: {  	v18 =	vadd.f32 v18, v17;
	v12 =	vld [tilespmem:s12+$0xC800];
	[tilespmem:s30+$0x14400] =	vst v22  }
0x14d: {  	s26 =	sadd.s32 $0x1, s26;
	[tilespmem:s12+$0x14400] =	vst v15;
	v17 =	vadd.f32 v20, v19;
	v15 =	vld [tilespmem:s12+$0xC810]  }
0x14e: {  	[tilespmem:s12+$0x14410] =	vst v18;
	v11 =	vadd.f32 v16, v11;
	v16 =	vld [tilespmem:s12+$0xC820]  }
0x14f: {  	[tilespmem:s12+$0x14420] =	vst v17;
	v10 =	vadd.f32 v13, v10;
	v13 =	vld [tilespmem:s12+$0xC830]  }
0x150: {  	[tilespmem:s12+$0x14430] =	vst v11;
	v9 =	vadd.f32 v14, v9;
	v11 =	vld [tilespmem:s12+$0xC840]  }
0x151: {  	[tilespmem:s12+$0x14440] =	vst v10;
	v8 =	vadd.f32 v12, v8;
	v10 =	vld [tilespmem:s12+$0xC850]  }
0x152: {  	[tilespmem:s12+$0x14450] =	vst v9;
	v7 =	vadd.f32 v15, v7  }
0x153: {  	[tilespmem:s12+$0x14800] =	vst v8;
	v4 =	vadd.f32 v16, v4  }
0x154: {  	[tilespmem:s12+$0x14810] =	vst v7;
	v5 =	vadd.f32 v13, v5  }
0x155: {  	[tilespmem:s12+$0x14820] =	vst v4;
	v3 =	vadd.f32 v11, v3  }
0x156: {  	[tilespmem:s12+$0x14830] =	vst v5;
	v4 =	vadd.f32 v10, v6  }
0x157: {  	s7 =	sor.u32 $0x800, s7;
	[tilespmem:s12+$0x14840] =	vst v3  }
0x158: {  	s14 =	simm.s32 $0x10000;
	s29 =	simm.s32 $0x2000;
	s0 =	sadd.s32 s4, s7;
	[tilespmem:s12+$0x14850] =	vst v4  }
0x159: {  	[hbm4b:s0+s5] =	stream.linear.scatter [tilespmem:s23], [sflag:$0x6], $0x2000, $0x38;
	[tilespmem:$0x18400] =	vst v63  }
0x15a: {  	s30 =	simm.s32 $0x400;
	s2 =	sand.u32 $0x1800, s14;
	s0 =	sand.u32 $0x2000, s29  }
0x15b: {  	s31 =	sand.u32 $0x380, s30;
	s0 =	sor.u32 s2, s0  }
0x15c: {  	s12 =	sor.u32 s31, s0  }
0x15d: {  	v3 =	vld [tilespmem:s12+$0x4870]  }
0x15e: {  	v4 =	vld [tilespmem:s12+$0x4400]  }
0x15f: {  	v5 =	vld [tilespmem:s12+$0xC870]  }
0x160: {  	v6 =	vld [tilespmem:s12+$0x4410]  }
0x161: {  	v7 =	vld [tilespmem:s12+$0x4420]  }
0x162: {  	v8 =	vld [tilespmem:s12+$0x4430]  }
0x163: {  	v9 =	vld [tilespmem:s12+$0x4440]  }
0x164: {  	v10 =	vld [tilespmem:s12+$0x4450]  }
0x165: {  	v11 =	vld [tilespmem:s12+$0x4460]  }
0x166: {  	v13 =	vld [tilespmem:s12+$0x4470]  }
0x167: {  	v14 =	vld [tilespmem:s12+$0x4800]  }
0x168: {  	v15 =	vld [tilespmem:s12+$0x4810]  }
0x169: {  	v18 =	vld [tilespmem:s12+$0x4820]  }
0x16a: {  	v19 =	vld [tilespmem:s12+$0x4830]  }
0x16b: {  	v20 =	vld [tilespmem:s12+$0x4840]  }
0x16c: {  	v21 =	vld [tilespmem:s12+$0x4850]  }
0x16d: {  	v22 =	vld [tilespmem:s12+$0x4860]  }
0x16e: {  	v16 =	vld [tilespmem:s12+$0xC400]  }
0x16f: {  	v23 =	vld [tilespmem:s12+$0xC410]  }
0x170: {  	v24 =	vld [tilespmem:s12+$0xC420];
	v3 =	vmul.f32 $3.200000000e+01, v3;
	v4 =	vmul.f32 $3.200000000e+01, v4  }
0x171: {  	v27 =	vld [tilespmem:s12+$0xC430];
	v6 =	vmul.f32 $3.200000000e+01, v6;
	v25 =	vmul.f32 $3.200000000e+01, v7  }
0x172: {  	v29 =	vld [tilespmem:s12+$0xC440];
	v26 =	vmul.f32 $3.200000000e+01, v8;
	v28 =	vmul.f32 $3.200000000e+01, v9;
	v3 =	vadd.f32 v5, v3  }
0x173: {  	v17 =	vld [tilespmem:s12+$0xC450];
	v12 =	vmul.f32 $3.200000000e+01, v10;
	v11 =	vmul.f32 $3.200000000e+01, v11;
	v5 =	vadd.f32 v16, v4  }
0x174: {  	v10 =	vmul.f32 $3.200000000e+01, v13;
	v9 =	vmul.f32 $3.200000000e+01, v14;
	v13 =	vadd.f32 v23, v6;
	v16 =	vld [tilespmem:s12+$0xC460];
	[tilespmem:s12+$0x14870] =	vst v3  }
0x175: {  	v8 =	vmul.f32 $3.200000000e+01, v15;
	v7 =	vmul.f32 $3.200000000e+01, v18;
	v14 =	vld [tilespmem:s12+$0xC470];
	v15 =	vadd.f32 v24, v25;
	[tilespmem:s12+$0x14400] =	vst v5  }
0x176: {  	v4 =	vmul.f32 $3.200000000e+01, v19;
	v6 =	vmul.f32 $3.200000000e+01, v20;
	v19 =	vadd.f32 v27, v26;
	[tilespmem:s12+$0x14410] =	vst v13;
	v13 =	vld [tilespmem:s12+$0xC800]  }
0x177: {  	s25 =	simm.s32 $0x200;
	v18 =	vadd.f32 v29, v28;
	v3 =	vmul.f32 $3.200000000e+01, v21;
	v5 =	vmul.f32 $3.200000000e+01, v22;
	[tilespmem:s12+$0x14420] =	vst v15;
	v15 =	vld [tilespmem:s12+$0xC810]  }
.LBB2_9:
0x178: {  	s25 =	sadd.s32 $0x10, s25;
	[tilespmem:s12+$0x14430] =	vst v19;
	v12 =	vadd.f32 v17, v12;
	v17 =	vld [tilespmem:s12+$0xC820]  }
0x179: {  	s14 =	sadd.s32 $0x800, s14;
	s0 =	sshll.u32 s25, $0x4;
	p0 =	slt.u32 s25, $0x3F0;
	[tilespmem:s12+$0x14440] =	vst v18;
	v11 =	vadd.f32 v16, v11;
	v16 =	vld [tilespmem:s12+$0xC830]  }
0x17a: {  	s2 =	sand.u32 $0x1800, s14;
	s16 =	sshll.u32 s25, $0x1;
	s0 =	sand.u32 $0x2000, s0;
	[tilespmem:s12+$0x14450] =	vst v12;
	v10 =	vadd.f32 v14, v10;
	v12 =	vld [tilespmem:s12+$0xC840]  }
0x17b: {  	s0 =	sor.u32 s2, s0;
	s2 =	sand.u32 $0x380, s16;
	[tilespmem:s12+$0x14460] =	vst v11;
	v9 =	vadd.f32 v13, v9;
	v11 =	vld [tilespmem:s12+$0xC850]  }
0x17c: {  	s0 =	sor.u32 s2, s0;
	[tilespmem:s12+$0x14470] =	vst v10;
	v8 =	vadd.f32 v15, v8;
	v10 =	vld [tilespmem:s12+$0xC860]  }
0x17d: {  	v13 =	vld [tilespmem:s0+$0x4870];
	[tilespmem:s12+$0x14800] =	vst v9;
	v7 =	vadd.f32 v17, v7  }
0x17e: {  	v9 =	vld [tilespmem:s0+$0x4400];
	[tilespmem:s12+$0x14810] =	vst v8;
	v4 =	vadd.f32 v16, v4  }
0x17f: {  	v8 =	vld [tilespmem:s0+$0xC870];
	[tilespmem:s12+$0x14820] =	vst v7;
	v6 =	vadd.f32 v12, v6  }
0x180: {  	v7 =	vld [tilespmem:s0+$0x4410];
	[tilespmem:s12+$0x14830] =	vst v4;
	v3 =	vadd.f32 v11, v3  }
0x181: {  	v4 =	vld [tilespmem:s0+$0x4420];
	[tilespmem:s12+$0x14840] =	vst v6;
	v5 =	vadd.f32 v10, v5  }
0x182: {  	v6 =	vld [tilespmem:s0+$0x4430];
	v10 =	vmul.f32 $3.200000000e+01, v13;
	[tilespmem:s12+$0x14850] =	vst v3  }
0x183: {  	v13 =	vmul.f32 $3.200000000e+01, v9;
	v3 =	vld [tilespmem:s0+$0x4440];
	[tilespmem:s12+$0x14860] =	vst v5;
	s12 =	smov.u32 s0  }
0x184: {  	v5 =	vld [tilespmem:s12+$0x4450];
	v8 =	vadd.f32 v8, v10  }
0x185: {  	v14 =	vmul.f32 $3.200000000e+01, v7;
	v7 =	vld [tilespmem:s12+$0x4460]  }
0x186: {  	v15 =	vmul.f32 $3.200000000e+01, v4;
	v4 =	vld [tilespmem:s12+$0x4470];
	[tilespmem:s12+$0x14870] =	vst v8  }
0x187: {  	v18 =	vmul.f32 $3.200000000e+01, v6;
	v6 =	vld [tilespmem:s12+$0x4800]  }
0x188: {  	v20 =	vmul.f32 $3.200000000e+01, v3;
	v3 =	vld [tilespmem:s12+$0x4810]  }
0x189: {  	v12 =	vmul.f32 $3.200000000e+01, v5;
	v5 =	vld [tilespmem:s12+$0x4820]  }
0x18a: {  	v11 =	vmul.f32 $3.200000000e+01, v7;
	v16 =	vld [tilespmem:s12+$0x4830]  }
0x18b: {  	v10 =	vmul.f32 $3.200000000e+01, v4;
	v17 =	vld [tilespmem:s12+$0x4840]  }
0x18c: {  	v9 =	vmul.f32 $3.200000000e+01, v6;
	v19 =	vld [tilespmem:s12+$0x4850]  }
0x18d: {  	v8 =	vmul.f32 $3.200000000e+01, v3;
	v21 =	vld [tilespmem:s12+$0x4860]  }
0x18e: {  	v22 =	vld [tilespmem:s12+$0xC400];
	v7 =	vmul.f32 $3.200000000e+01, v5  }
0x18f: {  	v23 =	vld [tilespmem:s12+$0xC410];
	v4 =	vmul.f32 $3.200000000e+01, v16  }
0x190: {  	v24 =	vld [tilespmem:s12+$0xC420];
	v6 =	vmul.f32 $3.200000000e+01, v17  }
0x191: {  	v25 =	vld [tilespmem:s12+$0xC430];
	v3 =	vmul.f32 $3.200000000e+01, v19  }
0x192: {  	v26 =	vld [tilespmem:s12+$0xC440];
	v5 =	vmul.f32 $3.200000000e+01, v21  }
.Ltmp5:
0x193: {  	v13 =	vadd.f32 v22, v13;
	v17 =	vld [tilespmem:s12+$0xC450];
	(pc) =	sbr.rel @p0 .LBB2_9-.Ltmp5, $4  }
0x194: {  	v19 =	vadd.f32 v23, v14;
	v16 =	vld [tilespmem:s12+$0xC460]  }
0x195: {  	[tilespmem:s12+$0x14400] =	vst v13;
	v15 =	vadd.f32 v24, v15;
	v14 =	vld [tilespmem:s12+$0xC470]  }
0x196: {  	[tilespmem:s12+$0x14410] =	vst v19;
	v19 =	vadd.f32 v25, v18;
	v13 =	vld [tilespmem:s12+$0xC800]  }
0x197: {  	[tilespmem:s12+$0x14420] =	vst v15;
	v18 =	vadd.f32 v26, v20;
	v15 =	vld [tilespmem:s12+$0xC810]  }
0x198: {  	[tilespmem:s12+$0x14430] =	vst v19;
	v12 =	vadd.f32 v17, v12;
	v58 =	vld [tilespmem:s12+$0xC820]  }
0x199: {  	v59 =	vld [tilespmem:s12+$0xC830];
	[tilespmem:s12+$0x14440] =	vst v18;
	v11 =	vadd.f32 v16, v11  }
0x19a: {  	v60 =	vld [tilespmem:s12+$0xC840];
	[tilespmem:s12+$0x14450] =	vst v12;
	v10 =	vadd.f32 v14, v10  }
0x19b: {  	v61 =	vld [tilespmem:s12+$0xC850];
	[tilespmem:s12+$0x14460] =	vst v11;
	v9 =	vadd.f32 v13, v9  }
0x19c: {  	v62 =	vld [tilespmem:s12+$0xC860];
	[tilespmem:s12+$0x14470] =	vst v10;
	v8 =	vadd.f32 v15, v8  }
0x19d: {  	[tilespmem:s12+$0x14800] =	vst v9;
	v7 =	vadd.f32 v58, v7  }
0x19e: {  	v4 =	vadd.f32 v59, v4;
	[tilespmem:s12+$0x14810] =	vst v8  }
0x19f: {  	v6 =	vadd.f32 v60, v6;
	[tilespmem:s12+$0x14820] =	vst v7  }
.Ltmp6:
0x1a0: {  	v3 =	vadd.f32 v61, v3;
	[tilespmem:s12+$0x14830] =	vst v4;
	(pc) =	sbr.rel @p1 .LBB2_12-.Ltmp6, $4  }
0x1a1: {  	v63 =	vadd.f32 v62, v5;
	[tilespmem:s12+$0x14840] =	vst v6  }
0x1a2: {  	[tilespmem:s12+$0x14850] =	vst v3  }
0x1a3: {  	s0 =	sadd.s32 s7, s13;
	[tilespmem:s12+$0x14860] =	vst v63  }
0x1a4: {  	[hbm4b:s0+s5] =	stream.linear.scatter [tilespmem:s24], [sflag:$0x6], $0x2000, $0x38;
	[tilespmem:$0x18400] =	vst v63  }
0x1a5: {  	s0 =	sadd.s32 $0x30, s15  }
0x1a6: {  	s0 =	sadd.s32 s6, s0  }
0x1a7: {  	s0 =	sshll.u32 s0, $0x7  }
0x1a8: {  	s2 =	simm.s32 $0x4400;
	s0 =	sadd.s32 s1, s0  }
0x1a9: {  	[tilespmem:s2], [sflag:$0x2] =	stream.linear.gather [hbm4b:s0+s5], $0x4000, $0x38;
	[tilespmem:$0x18400] =	vst v63  }
0x1aa: {  	v3 =	vld [tilespmem:s15+$0x30];
	_ =	sdelay $0x4  }
0x1ab: {  	v4 =	vshll.u32 v3, $0x3  }
0x1ac: {  	v3 =	vand.u32 $0x7, v3;
	v4 =	vand.u32 $0xFFFFFFC0, v4  }
0x1ad: {  	v3 =	vor.u32 v3, v4  }
0x1ae: {  	v4 =	vperm.xlane v3, v0;
	_ =	sdelay $0x1  }
0x1af: {  	v4 =	vadd.s32 v1, v4;
	_ =	sdelay $0x3  }
0x1b0: {  	s16 =	simm.s32 $0xC400  }
0x1b1: {  	[tilespmem:s16], [sflag:$0x4] =	stream.indirect_vreg.gather [hbm4b:s3+s5], $0x80, v4, vm0, $0xb8;
	[tilespmem:$0x18400] =	vst v63  }
0x1b2: {  	s19 =	simm.s32 $0xCC00;
	v3 =	vperm.xlane v3, v2  }
0x1b3: {  	[tilespmem:s19], [sflag:$0x4] =	stream.indirect_vreg.gather [hbm4b:s9+s5], $0x80, v4, vm0, $0xb8;
	[tilespmem:$0x18400] =	vst v63  }
0x1b4: {  	s25 =	simm.s32 $0xD400;
	v3 =	vadd.s32 v1, v3  }
0x1b5: {  	[tilespmem:s25], [sflag:$0x4] =	stream.indirect_vreg.gather [hbm4b:s10+s5], $0x80, v4, vm0, $0xb8;
	[tilespmem:$0x18400] =	vst v63  }
0x1b6: {  	s26 =	simm.s32 $0xDC00  }
0x1b7: {  	[tilespmem:s26], [sflag:$0x4] =	stream.indirect_vreg.gather [hbm4b:s11+s5], $0x80, v4, vm0, $0xb8;
	[tilespmem:$0x18400] =	vst v63  }
0x1b8: {  	s28 =	simm.s32 $0xE400  }
0x1b9: {  	[tilespmem:s28], [sflag:$0x4] =	stream.indirect_vreg.gather [hbm4b:s3+s5], $0x80, v3, vm0, $0xb8;
	[tilespmem:$0x18400] =	vst v63  }
0x1ba: {  	s29 =	simm.s32 $0xEC00  }
0x1bb: {  	[tilespmem:s29], [sflag:$0x4] =	stream.indirect_vreg.gather [hbm4b:s9+s5], $0x80, v3, vm0, $0xb8;
	[tilespmem:$0x18400] =	vst v63  }
.Ltmp7:
0x1bc: {  	_ = 	snop;
	(pc) =	sbr.rel .LBB2_2-.Ltmp7, $4  }
0x1bd: {  	s30 =	simm.s32 $0xF400  }
0x1be: {  	[tilespmem:s30], [sflag:$0x4] =	stream.indirect_vreg.gather [hbm4b:s10+s5], $0x80, v3, vm0, $0xb8;
	[tilespmem:$0x18400] =	vst v63  }
0x1bf: {  	s31 =	simm.s32 $0xFC00;
	s8 =	sadd.s32 $0x1, s8  }
0x1c0: {  	[tilespmem:s31], [sflag:$0x4] =	stream.indirect_vreg.gather [hbm4b:s11+s5], $0x80, v3, vm0, $0xb8;
	[tilespmem:$0x18400] =	vst v63  }
.LBB2_13:
0x1c1: {  	_ =	sfence.sel $0x180000  }
0x1c2: {  	[bflag:$0x0] =	sbarrier.arrive $0xFFFF  }
0x1c3: {  	_ =	strace $0x90000047  }
0x1c4: {  	s0 =	stileid.u32;
	[bflag:$0x2] =	sbarrier.arrive $0xFFFF  }
0x1c5: {  	p0 =	sne.s32 s0, $0x0;
	s0 =	rddreg [dreg:$0x4]  }
0x1c6: {  	s0 =	sadd.s32 @!p0 $0x100000, s0  }
0x1c7: {  	[sflag:s0] =	ssyncadd.tile.s32 @!p0 $0x1;
	_ =	shalt  }
.Lfunc_end2:
_tile_overlayer_lowered:
.L_overlay_start_2:
0x1c8: {  	(tag) =	ssettag $0x2  }
0x1c9: {  	s0 =	rddreg [dreg:$0x0];
	s2 =	stileid.u32  }
0x1ca: {  	s1 =	rddreg [dreg:$0x1];
	p0 =	sne.s32 s2, $0x0  }
0x1cb: {  	s3 =	rddreg [dreg:$0x2];
	[bflag:$0x3] =	sbarrier.arrive $0xFFFF;
	s2 =	simm.s32 @!p0 $0x1C07  }
0x1cc: {  	[timem:s3], [sflag:s2] =	dma.local @!p0 [hbm:s0], s1  }
0x1cd: {  	s0 =	simm.s32 @!p0 $0x7  }
0x1ce: {  	_ =	swait.ge @!p0 [sflag:s0], s1  }
0x1cf: {  	s1 =	ssub.s32 @!p0 $0x0, s1;
	[sflag:s0] =	ssyncset.done @!p0 $0x0  }
0x1d0: {  	[sflag:s0] =	ssyncadd.s32 @!p0 s1  }
0x1d1: {  	[bflag:$0x3] =	sbarrier.arrive $0xFFFF  }
0x1d2: {  	_ =	shalt  }

</sc_bundles>
